<compile_context>
chip_gen: v7x
topology: tpu7x:2x2x1
jax: 0.10.2.dev20260603
libtpu: 0.0.44.dev20260713+nightly
codegen_flags: <defaults>
</compile_context>

<pallas_src>
import functools

import jax
import jax.numpy as jnp
from jax import lax
from jax.experimental import pallas as pl
from jax.experimental.pallas import tpu as pltpu
from jax.experimental.pallas import tpu_sc as plsc

EMB = 64
VW = 44
VWP = 48
M1, M2 = 11, 10
MP = 16
NG = VWP * MP
NC = 2
ROW_BLOCK = 128


def _gather_rows_sc(table1, table2, i1f, i2f):
    mesh = plsc.ScalarSubcoreMesh(axis_name="c", num_cores=NC)

    @functools.partial(
        pl.kernel,
        out_type=jax.ShapeDtypeStruct((NC, NG, EMB), jnp.float32),
        mesh=mesh,
        scratch_types=[
            pltpu.SMEM((NG,), jnp.int32),
            pltpu.SemaphoreType.DMA,
            pltpu.SemaphoreType.DMA,
        ],
    )
    def k(t1_hbm, t2_hbm, i1_hbm, i2_hbm, out_hbm, idx_s, sem_i, sem):
        cid = lax.axis_index("c")

        def do_table(t_hbm, i_hbm, half):
            pltpu.async_copy(i_hbm, idx_s, sem_i).wait()

            @pl.loop(0, NG)
            def _(g):
                pltpu.async_copy(t_hbm.at[idx_s[g]], out_hbm.at[half, g], sem)

            pltpu.make_async_copy(
                t_hbm.at[pl.ds(0, NG)], out_hbm.at[half], sem
            ).wait()

        @pl.when(cid == 0)
        def _():
            do_table(t1_hbm, i1_hbm, 0)

        @pl.when(cid == 1)
        def _():
            do_table(t2_hbm, i2_hbm, 1)

    return k(table1, table2, i1f, i2f)


def _fused_body(L, x_ref, g_ref, wm1_ref, wm2_ref, t0_ref, out_ref, t_ref):
    @pl.when(pl.program_id(0) == 0)
    def _():
        h1 = jnp.dot(wm1_ref[...], g_ref[0],
                     preferred_element_type=jnp.float32)
        h2 = jnp.dot(wm2_ref[...], g_ref[1],
                     preferred_element_type=jnp.float32)
        word = jnp.concatenate([h1, h2], axis=1)
        row = jax.lax.broadcasted_iota(jnp.int32, (VWP, 1), 0)
        t_ref[...] = jnp.where(row < 4, t0_ref[...], word)

    t = t_ref[...]
    for l in range(L):
        col = x_ref[:, l:l + 1]
        oh = (col == jax.lax.broadcasted_iota(
            jnp.int32, (ROW_BLOCK, VWP), 1)).astype(jnp.float32)
        out_ref[:, l, :] = jnp.dot(oh, t, preferred_element_type=jnp.float32)


def _pad_grams(idx, mask, cnt, M):
    wt = mask.astype(jnp.float32) / cnt.astype(jnp.float32)[:, None]
    wtp = jnp.zeros((VWP, MP), jnp.float32).at[:VW, :M].set(wt)
    r = jax.lax.broadcasted_iota(jnp.int32, (VWP, NG), 0)
    c = jax.lax.broadcasted_iota(jnp.int32, (VWP, NG), 1)
    wtile = jnp.broadcast_to(wtp[:, None, :], (VWP, VWP, MP)).reshape(VWP, NG)
    wm = jnp.where(c // MP == r, wtile, 0.0)
    idxp = jnp.zeros((VWP, MP), jnp.int32).at[:VW, :M].set(idx)
    return idxp.reshape(-1), wm


def kernel(x, table0, table1, table2, idx1, mask1, cnt1, idx2, mask2, cnt2):
    B, L = x.shape
    nblk = B // ROW_BLOCK

    i1f, wm1 = _pad_grams(idx1, mask1, cnt1, M1)
    i2f, wm2 = _pad_grams(idx2, mask2, cnt2, M2)
    t0p = jnp.zeros((VWP, 2 * EMB), jnp.float32).at[:4].set(table0)

    g = _gather_rows_sc(table1, table2, i1f, i2f)

    out = pl.pallas_call(
        functools.partial(_fused_body, L),
        grid=(nblk,),
        in_specs=[
            pl.BlockSpec((ROW_BLOCK, L), lambda i: (i, 0)),
            pl.BlockSpec((NC, NG, EMB), lambda i: (0, 0, 0)),
            pl.BlockSpec((VWP, NG), lambda i: (0, 0)),
            pl.BlockSpec((VWP, NG), lambda i: (0, 0)),
            pl.BlockSpec((VWP, 2 * EMB), lambda i: (0, 0)),
        ],
        out_specs=pl.BlockSpec((ROW_BLOCK, L, 2 * EMB), lambda i: (i, 0, 0)),
        out_shape=jax.ShapeDtypeStruct((B, L, 2 * EMB), jnp.float32),
        scratch_shapes=[pltpu.VMEM((VWP, 2 * EMB), jnp.float32)],
        compiler_params=pltpu.CompilerParams(
            dimension_semantics=("arbitrary",),
        ),
    )(x, g, wm1, wm2, t0p)

    return out

# --- scband reference (transcript-rebuilt; emitter-appended) ---
"""Pipeline reference for scband-n-gram-embedding-7954279432569 (READ-ONLY COPY).

The authoritative reference and input builder live on the scoring server;
editing this copy changes nothing except your own understanding.
"""

import jax, jax.numpy as jnp
import numpy as np
import hashlib

VOCAB = {"<pad>": 0, "<unk>": 1, "<s>": 2, "</s>": 3, "the": 4, "quick": 5, "brown": 6, "fox": 7, "jumps": 8, "over": 9, "lazy": 10, "dog": 11, "hello": 12, "world": 13, "machine": 14, "learning": 15, "neural": 16, "network": 17, "embedding": 18, "vector": 19, "token": 20, "sequence": 21, "model": 22, "train": 23, "batch": 24, "gradient": 25, "descent": 26, "optimizer": 27, "layer": 28, "attention": 29, "transformer": 30, "recurrent": 31, "convolution": 32, "pooling": 33, "dropout": 34, "softmax": 35, "sigmoid": 36, "tanh": 37, "relu": 38, "linear": 39, "sparse": 40, "dense": 41, "a": 42, "data": 43}
VOCAB_SIZES = [100000, 100000]
EMB = 64
N = 2
B, L = 1024, 50

def _hash(s, V):
    return int(hashlib.sha256(s.encode()).hexdigest(), 16) % V + 1

def _build_ngram_tables():
    ivocab = {i: w for w, i in VOCAB.items()}
    Vw = len(VOCAB)
    idxs, masks, cnts = [], [], []
    for order in range(1, N + 1):
        M = 1
        for wi in range(4, Vw):
            M = max(M, max(1, len(ivocab[wi]) - order + 1))
        idx = np.zeros((Vw, M), dtype=np.int32)
        mask = np.zeros((Vw, M), dtype=np.int32)
        cnt = np.ones((Vw,), dtype=np.int32)
        for wi in range(4, Vw):
            w = ivocab[wi]
            grams = [_hash(w[j:j + order], VOCAB_SIZES[order - 1]) for j in range(len(w) - order + 1)]
            if len(grams) == 0:
                grams = [0]
            idx[wi, :len(grams)] = grams
            mask[wi, :len(grams)] = 1
            cnt[wi] = len(grams)
        idxs.append(idx)
        masks.append(mask)
        cnts.append(cnt)
    return idxs, masks, cnts

def setup_inputs(seed: int = 0):
    key = jax.random.key(seed)
    k1, k2, k3, k4 = jax.random.split(key, 4)
    x = jax.random.randint(k1, (B, L), 0, len(VOCAB), dtype=jnp.int32)
    table0 = 0.1 * jax.random.normal(k2, (4, EMB * N), dtype=jnp.float32)
    table1 = 0.1 * jax.random.normal(k3, (VOCAB_SIZES[0] + 1, EMB), dtype=jnp.float32)
    table2 = 0.1 * jax.random.normal(k4, (VOCAB_SIZES[1] + 1, EMB), dtype=jnp.float32)
    idxs, masks, cnts = _build_ngram_tables()
    return {"x": x, "table0": table0, "table1": table1, "table2": table2,
            "idx1": jnp.asarray(idxs[0]), "mask1": jnp.asarray(masks[0]), "cnt1": jnp.asarray(cnts[0]),
            "idx2": jnp.asarray(idxs[1]), "mask2": jnp.asarray(masks[1]), "cnt2": jnp.asarray(cnts[1])}

def reference(x, table0, table1, table2, idx1, mask1, cnt1, idx2, mask2, cnt2):
    def mean_emb(table, idx, mask, cnt):
        g = idx[x]
        m = mask[x].astype(jnp.float32)
        c = cnt[x].astype(jnp.float32)
        return (table[g] * m[..., None]).sum(axis=-2) / c[..., None]
    e1 = mean_emb(table1, idx1, mask1, cnt1)
    e2 = mean_emb(table2, idx2, mask2, cnt2)
    word = jnp.concatenate([e1, e2], axis=-1)
    spec = table0[jnp.minimum(x, 3)]
    out = jnp.where((x < 4)[..., None], spec, word)
    return out

if __name__ == "__main__":
    import jax
    _d = setup_inputs()
    print(jax.jit(kernel)(*tuple(_d.values())))

</pallas_src>

<mosaic_0001>
#map = affine_map<(d0) -> (0, 0)>
#map1 = affine_map<(d0) -> (0)>
#map2 = affine_map<(d0) -> (0, 0, 0)>
module attributes {stable_mosaic.version = 14 : i64} {
  func.func @k(%arg0: i32, %arg1: memref<100001x64xf32, #tpu.memory_space<hbm>>, %arg2: memref<100001x64xf32, #tpu.memory_space<hbm>>, %arg3: memref<768xi32, #tpu.memory_space<hbm>>, %arg4: memref<768xi32, #tpu.memory_space<hbm>>, %arg5: memref<2x768x64xf32, #tpu.memory_space<hbm>>, %arg6: memref<768xi32, #tpu.memory_space<smem>>, %arg7: memref<!tpu.dma_semaphore, #tpu.memory_space<semaphore_mem>>, %arg8: memref<!tpu.dma_semaphore, #tpu.memory_space<semaphore_mem>>) attributes {dimension_semantics = [#tpu.dimension_semantics<core_parallel>], iteration_bounds = array<i64: 2>, scalar_prefetch = 0 : i64, scratch_operands = 3 : i64, tpu.core_type = #tpu.core_type<sc_scalar_subcore>, window_params = [{transform_indices = #map}, {transform_indices = #map}, {transform_indices = #map1}, {transform_indices = #map1}, {transform_indices = #map2}]} {
    %eq3A = arith.constant 0 : i32
    %eq3A_0 = arith.cmpi eq, %arg0, %eq3A : i32
    %convert_element_type3A = arith.extui %eq3A_0 : i1 to i32
    %cond3A = arith.constant 0 : i32
    %cond3A_1 = arith.cmpi ne, %convert_element_type3A, %cond3A : i32
    scf.if %cond3A_1 {
      tpu.enqueue_dma source(%arg3 : memref<768xi32, #tpu.memory_space<hbm>>) target(%arg6 : memref<768xi32, #tpu.memory_space<smem>>) target_semaphore(%arg7 : memref<!tpu.dma_semaphore, #tpu.memory_space<semaphore_mem>>)
      tpu.wait_dma2 semaphore(%arg7 : memref<!tpu.dma_semaphore, #tpu.memory_space<semaphore_mem>>) src(%arg3 : memref<768xi32, #tpu.memory_space<hbm>>) dst(%arg6 : memref<768xi32, #tpu.memory_space<smem>>)
      %scan3A = arith.constant 0 : i32
      %scan3A_7 = arith.constant 768 : i32
      %scan3A_8 = arith.addi %scan3A, %scan3A_7 : i32
      %scan3A_9 = arith.constant 1 : i32
      scf.for %scan3A_18 = %scan3A to %scan3A_8 step %scan3A_9  : i32 {
        %mul3A = arith.constant 1 : i32
        %mul3A_19 = arith.muli %scan3A_18, %mul3A : i32
        %add3A = arith.constant 0 : i32
        %add3A_20 = arith.addi %add3A, %mul3A_19 : i32
        %get3A = arith.index_cast %add3A_20 : i32 to index
        %get3A_21 = memref.load %arg6[%get3A] : memref<768xi32, #tpu.memory_space<smem>>
        %dma_start3A = arith.constant 0 : i32
        %dma_start3A_22 = arith.constant 0 : i32
        %dma_start3A_23 = tpu.memref_slice %arg5[%dma_start3A, %add3A_20, %dma_start3A_22] : memref<2x768x64xf32, #tpu.memory_space<hbm>> -> memref<1x1x64xf32, #tpu.memory_space<hbm>>
        %dma_start3A_24 = tpu.memref_squeeze %dma_start3A_23 : memref<1x1x64xf32, #tpu.memory_space<hbm>> -> memref<64xf32, #tpu.memory_space<hbm>>
        %dma_start3A_25 = arith.constant 0 : i32
        %dma_start3A_26 = tpu.memref_slice %arg1[%get3A_21, %dma_start3A_25] : memref<100001x64xf32, #tpu.memory_space<hbm>> -> memref<1x64xf32, #tpu.memory_space<hbm>>
        %dma_start3A_27 = tpu.memref_squeeze %dma_start3A_26 : memref<1x64xf32, #tpu.memory_space<hbm>> -> memref<64xf32, #tpu.memory_space<hbm>>
        tpu.enqueue_dma source(%dma_start3A_27 : memref<64xf32, #tpu.memory_space<hbm>>) target(%dma_start3A_24 : memref<64xf32, #tpu.memory_space<hbm>>) target_semaphore(%arg8 : memref<!tpu.dma_semaphore, #tpu.memory_space<semaphore_mem>>)
      }
      %scan3A_10 = arith.constant 768 : i32
      %dma_wait3A = arith.constant 0 : i32
      %dma_wait3A_11 = arith.constant 0 : i32
      %dma_wait3A_12 = arith.constant 0 : i32
      %dma_wait3A_13 = tpu.memref_slice %arg5[%dma_wait3A, %dma_wait3A_11, %dma_wait3A_12] : memref<2x768x64xf32, #tpu.memory_space<hbm>> -> memref<1x768x64xf32, #tpu.memory_space<hbm>>
      %dma_wait3A_14 = tpu.memref_squeeze %dma_wait3A_13 : memref<1x768x64xf32, #tpu.memory_space<hbm>> -> memref<768x64xf32, #tpu.memory_space<hbm>>
      %dma_wait3A_15 = arith.constant 0 : i32
      %dma_wait3A_16 = arith.constant 0 : i32
      %dma_wait3A_17 = tpu.memref_slice %arg1[%dma_wait3A_15, %dma_wait3A_16] : memref<100001x64xf32, #tpu.memory_space<hbm>> -> memref<768x64xf32, #tpu.memory_space<hbm>>
      tpu.wait_dma2 semaphore(%arg8 : memref<!tpu.dma_semaphore, #tpu.memory_space<semaphore_mem>>) src(%dma_wait3A_17 : memref<768x64xf32, #tpu.memory_space<hbm>>) dst(%dma_wait3A_14 : memref<768x64xf32, #tpu.memory_space<hbm>>)
    } else {
    }
    %eq3A_2 = arith.constant 1 : i32
    %eq3A_3 = arith.cmpi eq, %arg0, %eq3A_2 : i32
    %convert_element_type3A_4 = arith.extui %eq3A_3 : i1 to i32
    %cond3A_5 = arith.constant 0 : i32
    %cond3A_6 = arith.cmpi ne, %convert_element_type3A_4, %cond3A_5 : i32
    scf.if %cond3A_6 {
      tpu.enqueue_dma source(%arg4 : memref<768xi32, #tpu.memory_space<hbm>>) target(%arg6 : memref<768xi32, #tpu.memory_space<smem>>) target_semaphore(%arg7 : memref<!tpu.dma_semaphore, #tpu.memory_space<semaphore_mem>>)
      tpu.wait_dma2 semaphore(%arg7 : memref<!tpu.dma_semaphore, #tpu.memory_space<semaphore_mem>>) src(%arg4 : memref<768xi32, #tpu.memory_space<hbm>>) dst(%arg6 : memref<768xi32, #tpu.memory_space<smem>>)
      %scan3A = arith.constant 0 : i32
      %scan3A_7 = arith.constant 768 : i32
      %scan3A_8 = arith.addi %scan3A, %scan3A_7 : i32
      %scan3A_9 = arith.constant 1 : i32
      scf.for %scan3A_18 = %scan3A to %scan3A_8 step %scan3A_9  : i32 {
        %mul3A = arith.constant 1 : i32
        %mul3A_19 = arith.muli %scan3A_18, %mul3A : i32
        %add3A = arith.constant 0 : i32
        %add3A_20 = arith.addi %add3A, %mul3A_19 : i32
        %get3A = arith.index_cast %add3A_20 : i32 to index
        %get3A_21 = memref.load %arg6[%get3A] : memref<768xi32, #tpu.memory_space<smem>>
        %dma_start3A = arith.constant 1 : i32
        %dma_start3A_22 = arith.constant 0 : i32
        %dma_start3A_23 = tpu.memref_slice %arg5[%dma_start3A, %add3A_20, %dma_start3A_22] : memref<2x768x64xf32, #tpu.memory_space<hbm>> -> memref<1x1x64xf32, #tpu.memory_space<hbm>>
        %dma_start3A_24 = tpu.memref_squeeze %dma_start3A_23 : memref<1x1x64xf32, #tpu.memory_space<hbm>> -> memref<64xf32, #tpu.memory_space<hbm>>
        %dma_start3A_25 = arith.constant 0 : i32
        %dma_start3A_26 = tpu.memref_slice %arg2[%get3A_21, %dma_start3A_25] : memref<100001x64xf32, #tpu.memory_space<hbm>> -> memref<1x64xf32, #tpu.memory_space<hbm>>
        %dma_start3A_27 = tpu.memref_squeeze %dma_start3A_26 : memref<1x64xf32, #tpu.memory_space<hbm>> -> memref<64xf32, #tpu.memory_space<hbm>>
        tpu.enqueue_dma source(%dma_start3A_27 : memref<64xf32, #tpu.memory_space<hbm>>) target(%dma_start3A_24 : memref<64xf32, #tpu.memory_space<hbm>>) target_semaphore(%arg8 : memref<!tpu.dma_semaphore, #tpu.memory_space<semaphore_mem>>)
      }
      %scan3A_10 = arith.constant 768 : i32
      %dma_wait3A = arith.constant 1 : i32
      %dma_wait3A_11 = arith.constant 0 : i32
      %dma_wait3A_12 = arith.constant 0 : i32
      %dma_wait3A_13 = tpu.memref_slice %arg5[%dma_wait3A, %dma_wait3A_11, %dma_wait3A_12] : memref<2x768x64xf32, #tpu.memory_space<hbm>> -> memref<1x768x64xf32, #tpu.memory_space<hbm>>
      %dma_wait3A_14 = tpu.memref_squeeze %dma_wait3A_13 : memref<1x768x64xf32, #tpu.memory_space<hbm>> -> memref<768x64xf32, #tpu.memory_space<hbm>>
      %dma_wait3A_15 = arith.constant 0 : i32
      %dma_wait3A_16 = arith.constant 0 : i32
      %dma_wait3A_17 = tpu.memref_slice %arg2[%dma_wait3A_15, %dma_wait3A_16] : memref<100001x64xf32, #tpu.memory_space<hbm>> -> memref<768x64xf32, #tpu.memory_space<hbm>>
      tpu.wait_dma2 semaphore(%arg8 : memref<!tpu.dma_semaphore, #tpu.memory_space<semaphore_mem>>) src(%dma_wait3A_17 : memref<768x64xf32, #tpu.memory_space<hbm>>) dst(%dma_wait3A_14 : memref<768x64xf32, #tpu.memory_space<hbm>>)
    } else {
    }
    return
  }
}

module attributes {stable_mosaic.version = 14 : i64} {
  func.func @_fused_body(%arg0: i32, %arg1: memref<128x50xi32, #tpu.memory_space<vmem>>, %arg2: memref<2x768x64xf32, #tpu.memory_space<vmem>>, %arg3: memref<48x768xf32, #tpu.memory_space<vmem>>, %arg4: memref<48x768xf32, #tpu.memory_space<vmem>>, %arg5: memref<48x128xf32, #tpu.memory_space<vmem>>, %arg6: memref<128x50x128xf32, #tpu.memory_space<vmem>>, %arg7: memref<48x128xf32, #tpu.memory_space<vmem>>) attributes {dimension_semantics = [#tpu.dimension_semantics<arbitrary>], iteration_bounds = array<i64: 8>, scalar_prefetch = 0 : i64, scratch_operands = 1 : i64, tpu.core_type = #tpu.core_type<tc>, window_params = [{transform_indices = @transform_0, window_bounds = array<i64: 128, 50>}, {pipeline_mode = #tpu.pipeline_mode<synchronous>, transform_indices = @transform_1, window_bounds = array<i64: 2, 768, 64>}, {pipeline_mode = #tpu.pipeline_mode<synchronous>, transform_indices = @transform_2, window_bounds = array<i64: 48, 768>}, {pipeline_mode = #tpu.pipeline_mode<synchronous>, transform_indices = @transform_3, window_bounds = array<i64: 48, 768>}, {pipeline_mode = #tpu.pipeline_mode<synchronous>, transform_indices = @transform_4, window_bounds = array<i64: 48, 128>}, {transform_indices = @transform_5, window_bounds = array<i64: 128, 50, 128>}]} {
    %eq3A = arith.constant 0 : i32
    %eq3A_0 = arith.cmpi eq, %arg0, %eq3A : i32
    %convert_element_type3A = arith.extui %eq3A_0 : i1 to i32
    %cond3A = arith.constant 0 : i32
    %cond3A_1 = arith.cmpi ne, %convert_element_type3A, %cond3A : i32
    scf.if %cond3A_1 {
      %get3A_801 = arith.constant 0 : index
      %get3A_802 = arith.constant 0 : index
      %get3A_803 = vector.load %arg3[%get3A_801, %get3A_802] : memref<48x768xf32, #tpu.memory_space<vmem>>, vector<48x768xf32>
      %get3A_804 = arith.constant 0 : index
      %get3A_805 = arith.constant 0 : index
      %get3A_806 = arith.constant 0 : index
      %get3A_807 = vector.load %arg2[%get3A_804, %get3A_805, %get3A_806] : memref<2x768x64xf32, #tpu.memory_space<vmem>>, vector<1x768x64xf32>
      %get3A_808 = vector.shape_cast %get3A_807 : vector<1x768x64xf32> to vector<768x64xf32>
      %dot_general3A_809 = arith.constant dense<0.000000e+00> : vector<48x64xf32>
      %dot_general3A_810 = tpu.matmul %get3A_803, %get3A_808, %dot_general3A_809 {dimension_numbers = #tpu.dot_dimension_numbers<[1], [0], [0], [1], [0, 0, 1, 1], [], []>, transpose_lhs_hint = false} : vector<48x768xf32>, vector<768x64xf32>, vector<48x64xf32> -> vector<48x64xf32>
      %get3A_811 = arith.constant 0 : index
      %get3A_812 = arith.constant 0 : index
      %get3A_813 = vector.load %arg4[%get3A_811, %get3A_812] : memref<48x768xf32, #tpu.memory_space<vmem>>, vector<48x768xf32>
      %get3A_814 = arith.constant 1 : index
      %get3A_815 = arith.constant 0 : index
      %get3A_816 = arith.constant 0 : index
      %get3A_817 = vector.load %arg2[%get3A_814, %get3A_815, %get3A_816] : memref<2x768x64xf32, #tpu.memory_space<vmem>>, vector<1x768x64xf32>
      %get3A_818 = vector.shape_cast %get3A_817 : vector<1x768x64xf32> to vector<768x64xf32>
      %dot_general3A_819 = arith.constant dense<0.000000e+00> : vector<48x64xf32>
      %dot_general3A_820 = tpu.matmul %get3A_813, %get3A_818, %dot_general3A_819 {dimension_numbers = #tpu.dot_dimension_numbers<[1], [0], [0], [1], [0, 0, 1, 1], [], []>, transpose_lhs_hint = false} : vector<48x768xf32>, vector<768x64xf32>, vector<48x64xf32> -> vector<48x64xf32>
      %concatenate3A = tpu.concatenate %dot_general3A_810, %dot_general3A_820 in 1 : vector<48x64xf32>, vector<48x64xf32> -> vector<48x128xf32>
      %iota3A_821 = tpu.iota {dimensions = array<i32: 0>} : vector<48x1xi32>
      %lt3A = arith.constant 4 : i32
      %lt3A_822 = vector.broadcast %lt3A : i32 to vector<48x1xi32>
      %lt3A_823 = arith.cmpi slt, %iota3A_821, %lt3A_822 : vector<48x1xi32>
      %get3A_824 = arith.constant 0 : index
      %get3A_825 = arith.constant 0 : index
      %get3A_826 = vector.load %arg5[%get3A_824, %get3A_825] : memref<48x128xf32, #tpu.memory_space<vmem>>, vector<48x128xf32>
      %broadcast_in_dim3A = vector.shape_cast %lt3A_823 : vector<48x1xi1> to vector<48x1xi1>
      %broadcast_in_dim3A_827 = vector.broadcast %broadcast_in_dim3A : vector<48x1xi1> to vector<48x128xi1>
      %select_n3A = arith.select %broadcast_in_dim3A_827, %get3A_826, %concatenate3A : vector<48x128xi1>, vector<48x128xf32>
      %swap3A_828 = arith.constant 0 : index
      %swap3A_829 = arith.constant 0 : index
      %swap3A_830 = vector.load %arg7[%swap3A_828, %swap3A_829] : memref<48x128xf32, #tpu.memory_space<vmem>>, vector<48x128xf32>
      tpu.vector_store %arg7[%swap3A_828, %swap3A_829], %select_n3A {strides = array<i32>} : memref<48x128xf32, #tpu.memory_space<vmem>>, vector<48x128xf32>,
    } else {
    }
    %get3A = arith.constant 0 : index
    %get3A_2 = arith.constant 0 : index
    %get3A_3 = vector.load %arg7[%get3A, %get3A_2] : memref<48x128xf32, #tpu.memory_space<vmem>>, vector<48x128xf32>
    %get3A_4 = arith.constant 0 : index
    %get3A_5 = arith.constant 0 : index
    %get3A_6 = vector.load %arg1[%get3A_4, %get3A_5] : memref<128x50xi32, #tpu.memory_space<vmem>>, vector<128x1xi32>
    %iota3A = tpu.iota {dimensions = array<i32: 1>} : vector<128x48xi32>
    %eq3A_7 = vector.broadcast %get3A_6 : vector<128x1xi32> to vector<128x48xi32>
    %eq3A_8 = arith.cmpi eq, %eq3A_7, %iota3A : vector<128x48xi32>
    %convert_element_type3A_9 = arith.extui %eq3A_8 : vector<128x48xi1> to vector<128x48xi32>
    %convert_element_type3A_10 = arith.sitofp %convert_element_type3A_9 : vector<128x48xi32> to vector<128x48xf32>
    %dot_general3A = arith.constant dense<0.000000e+00> : vector<128x128xf32>
    %dot_general3A_11 = tpu.matmul %convert_element_type3A_10, %get3A_3, %dot_general3A {dimension_numbers = #tpu.dot_dimension_numbers<[1], [0], [0], [1], [0, 0, 1, 1], [], []>, transpose_lhs_hint = false} : vector<128x48xf32>, vector<48x128xf32>, vector<128x128xf32> -> vector<128x128xf32>
    %swap3A = arith.constant 0 : index
    %swap3A_12 = arith.constant 0 : index
    %swap3A_13 = arith.constant 0 : index
    %swap3A_14 = vector.load %arg6[%swap3A, %swap3A_12, %swap3A_13] : memref<128x50x128xf32, #tpu.memory_space<vmem>>, vector<128x1x128xf32>
    %swap3A_15 = vector.shape_cast %swap3A_14 : vector<128x1x128xf32> to vector<128x128xf32>
    %swap3A_16 = vector.shape_cast %dot_general3A_11 : vector<128x128xf32> to vector<128x1x128xf32>
    tpu.vector_store %arg6[%swap3A, %swap3A_12, %swap3A_13], %swap3A_16 {strides = array<i32>} : memref<128x50x128xf32, #tpu.memory_space<vmem>>, vector<128x1x128xf32>,
    %get3A_17 = arith.constant 0 : index
    %get3A_18 = arith.constant 1 : index
    %get3A_19 = vector.load %arg1[%get3A_17, %get3A_18] : memref<128x50xi32, #tpu.memory_space<vmem>>, vector<128x1xi32>
    %iota3A_20 = tpu.iota {dimensions = array<i32: 1>} : vector<128x48xi32>
    %eq3A_21 = vector.broadcast %get3A_19 : vector<128x1xi32> to vector<128x48xi32>
    %eq3A_22 = arith.cmpi eq, %eq3A_21, %iota3A_20 : vector<128x48xi32>
    %convert_element_type3A_23 = arith.extui %eq3A_22 : vector<128x48xi1> to vector<128x48xi32>
    %convert_element_type3A_24 = arith.sitofp %convert_element_type3A_23 : vector<128x48xi32> to vector<128x48xf32>
    %dot_general3A_25 = arith.constant dense<0.000000e+00> : vector<128x128xf32>
    %dot_general3A_26 = tpu.matmul %convert_element_type3A_24, %get3A_3, %dot_general3A_25 {dimension_numbers = #tpu.dot_dimension_numbers<[1], [0], [0], [1], [0, 0, 1, 1], [], []>, transpose_lhs_hint = false} : vector<128x48xf32>, vector<48x128xf32>, vector<128x128xf32> -> vector<128x128xf32>
    %swap3A_27 = arith.constant 0 : index
    %swap3A_28 = arith.constant 1 : index
    %swap3A_29 = arith.constant 0 : index
    %swap3A_30 = vector.load %arg6[%swap3A_27, %swap3A_28, %swap3A_29] : memref<128x50x128xf32, #tpu.memory_space<vmem>>, vector<128x1x128xf32>
    %swap3A_31 = vector.shape_cast %swap3A_30 : vector<128x1x128xf32> to vector<128x128xf32>
    %swap3A_32 = vector.shape_cast %dot_general3A_26 : vector<128x128xf32> to vector<128x1x128xf32>
    tpu.vector_store %arg6[%swap3A_27, %swap3A_28, %swap3A_29], %swap3A_32 {strides = array<i32>} : memref<128x50x128xf32, #tpu.memory_space<vmem>>, vector<128x1x128xf32>,
    %get3A_33 = arith.constant 0 : index
    %get3A_34 = arith.constant 2 : index
    %get3A_35 = vector.load %arg1[%get3A_33, %get3A_34] : memref<128x50xi32, #tpu.memory_space<vmem>>, vector<128x1xi32>
    %iota3A_36 = tpu.iota {dimensions = array<i32: 1>} : vector<128x48xi32>
    %eq3A_37 = vector.broadcast %get3A_35 : vector<128x1xi32> to vector<128x48xi32>
    %eq3A_38 = arith.cmpi eq, %eq3A_37, %iota3A_36 : vector<128x48xi32>
    %convert_element_type3A_39 = arith.extui %eq3A_38 : vector<128x48xi1> to vector<128x48xi32>
    %convert_element_type3A_40 = arith.sitofp %convert_element_type3A_39 : vector<128x48xi32> to vector<128x48xf32>
    %dot_general3A_41 = arith.constant dense<0.000000e+00> : vector<128x128xf32>
    %dot_general3A_42 = tpu.matmul %convert_element_type3A_40, %get3A_3, %dot_general3A_41 {dimension_numbers = #tpu.dot_dimension_numbers<[1], [0], [0], [1], [0, 0, 1, 1], [], []>, transpose_lhs_hint = false} : vector<128x48xf32>, vector<48x128xf32>, vector<128x128xf32> -> vector<128x128xf32>
    %swap3A_43 = arith.constant 0 : index
    %swap3A_44 = arith.constant 2 : index
    %swap3A_45 = arith.constant 0 : index
    %swap3A_46 = vector.load %arg6[%swap3A_43, %swap3A_44, %swap3A_45] : memref<128x50x128xf32, #tpu.memory_space<vmem>>, vector<128x1x128xf32>
    %swap3A_47 = vector.shape_cast %swap3A_46 : vector<128x1x128xf32> to vector<128x128xf32>
    %swap3A_48 = vector.shape_cast %dot_general3A_42 : vector<128x128xf32> to vector<128x1x128xf32>
    tpu.vector_store %arg6[%swap3A_43, %swap3A_44, %swap3A_45], %swap3A_48 {strides = array<i32>} : memref<128x50x128xf32, #tpu.memory_space<vmem>>, vector<128x1x128xf32>,
    %get3A_49 = arith.constant 0 : index
    %get3A_50 = arith.constant 3 : index
    %get3A_51 = vector.load %arg1[%get3A_49, %get3A_50] : memref<128x50xi32, #tpu.memory_space<vmem>>, vector<128x1xi32>
    %iota3A_52 = tpu.iota {dimensions = array<i32: 1>} : vector<128x48xi32>
    %eq3A_53 = vector.broadcast %get3A_51 : vector<128x1xi32> to vector<128x48xi32>
    %eq3A_54 = arith.cmpi eq, %eq3A_53, %iota3A_52 : vector<128x48xi32>
    %convert_element_type3A_55 = arith.extui %eq3A_54 : vector<128x48xi1> to vector<128x48xi32>
    %convert_element_type3A_56 = arith.sitofp %convert_element_type3A_55 : vector<128x48xi32> to vector<128x48xf32>
    %dot_general3A_57 = arith.constant dense<0.000000e+00> : vector<128x128xf32>
    %dot_general3A_58 = tpu.matmul %convert_element_type3A_56, %get3A_3, %dot_general3A_57 {dimension_numbers = #tpu.dot_dimension_numbers<[1], [0], [0], [1], [0, 0, 1, 1], [], []>, transpose_lhs_hint = false} : vector<128x48xf32>, vector<48x128xf32>, vector<128x128xf32> -> vector<128x128xf32>
    %swap3A_59 = arith.constant 0 : index
    %swap3A_60 = arith.constant 3 : index
    %swap3A_61 = arith.constant 0 : index
    %swap3A_62 = vector.load %arg6[%swap3A_59, %swap3A_60, %swap3A_61] : memref<128x50x128xf32, #tpu.memory_space<vmem>>, vector<128x1x128xf32>
    %swap3A_63 = vector.shape_cast %swap3A_62 : vector<128x1x128xf32> to vector<128x128xf32>
    %swap3A_64 = vector.shape_cast %dot_general3A_58 : vector<128x128xf32> to vector<128x1x128xf32>
    tpu.vector_store %arg6[%swap3A_59, %swap3A_60, %swap3A_61], %swap3A_64 {strides = array<i32>} : memref<128x50x128xf32, #tpu.memory_space<vmem>>, vector<128x1x128xf32>,
    %get3A_65 = arith.constant 0 : index
    %get3A_66 = arith.constant 4 : index
    %get3A_67 = vector.load %arg1[%get3A_65, %get3A_66] : memref<128x50xi32, #tpu.memory_space<vmem>>, vector<128x1xi32>
    %iota3A_68 = tpu.iota {dimensions = array<i32: 1>} : vector<128x48xi32>
    %eq3A_69 = vector.broadcast %get3A_67 : vector<128x1xi32> to vector<128x48xi32>
    %eq3A_70 = arith.cmpi eq, %eq3A_69, %iota3A_68 : vector<128x48xi32>
    %convert_element_type3A_71 = arith.extui %eq3A_70 : vector<128x48xi1> to vector<128x48xi32>
    %convert_element_type3A_72 = arith.sitofp %convert_element_type3A_71 : vector<128x48xi32> to vector<128x48xf32>
    %dot_general3A_73 = arith.constant dense<0.000000e+00> : vector<128x128xf32>
    %dot_general3A_74 = tpu.matmul %convert_element_type3A_72, %get3A_3, %dot_general3A_73 {dimension_numbers = #tpu.dot_dimension_numbers<[1], [0], [0], [1], [0, 0, 1, 1], [], []>, transpose_lhs_hint = false} : vector<128x48xf32>, vector<48x128xf32>, vector<128x128xf32> -> vector<128x128xf32>
    %swap3A_75 = arith.constant 0 : index
    %swap3A_76 = arith.constant 4 : index
    %swap3A_77 = arith.constant 0 : index
    %swap3A_78 = vector.load %arg6[%swap3A_75, %swap3A_76, %swap3A_77] : memref<128x50x128xf32, #tpu.memory_space<vmem>>, vector<128x1x128xf32>
    %swap3A_79 = vector.shape_cast %swap3A_78 : vector<128x1x128xf32> to vector<128x128xf32>
    %swap3A_80 = vector.shape_cast %dot_general3A_74 : vector<128x128xf32> to vector<128x1x128xf32>
    tpu.vector_store %arg6[%swap3A_75, %swap3A_76, %swap3A_77], %swap3A_80 {strides = array<i32>} : memref<128x50x128xf32, #tpu.memory_space<vmem>>, vector<128x1x128xf32>,
    %get3A_81 = arith.constant 0 : index
    %get3A_82 = arith.constant 5 : index
    %get3A_83 = vector.load %arg1[%get3A_81, %get3A_82] : memref<128x50xi32, #tpu.memory_space<vmem>>, vector<128x1xi32>
    %iota3A_84 = tpu.iota {dimensions = array<i32: 1>} : vector<128x48xi32>
    %eq3A_85 = vector.broadcast %get3A_83 : vector<128x1xi32> to vector<128x48xi32>
    %eq3A_86 = arith.cmpi eq, %eq3A_85, %iota3A_84 : vector<128x48xi32>
    %convert_element_type3A_87 = arith.extui %eq3A_86 : vector<128x48xi1> to vector<128x48xi32>
    %convert_element_type3A_88 = arith.sitofp %convert_element_type3A_87 : vector<128x48xi32> to vector<128x48xf32>
    %dot_general3A_89 = arith.constant dense<0.000000e+00> : vector<128x128xf32>
    %dot_general3A_90 = tpu.matmul %convert_element_type3A_88, %get3A_3, %dot_general3A_89 {dimension_numbers = #tpu.dot_dimension_numbers<[1], [0], [0], [1], [0, 0, 1, 1], [], []>, transpose_lhs_hint = false} : vector<128x48xf32>, vector<48x128xf32>, vector<128x128xf32> -> vector<128x128xf32>
    %swap3A_91 = arith.constant 0 : index
    %swap3A_92 = arith.constant 5 : index
    %swap3A_93 = arith.constant 0 : index
    %swap3A_94 = vector.load %arg6[%swap3A_91, %swap3A_92, %swap3A_93] : memref<128x50x128xf32, #tpu.memory_space<vmem>>, vector<128x1x128xf32>
    %swap3A_95 = vector.shape_cast %swap3A_94 : vector<128x1x128xf32> to vector<128x128xf32>
    %swap3A_96 = vector.shape_cast %dot_general3A_90 : vector<128x128xf32> to vector<128x1x128xf32>
    tpu.vector_store %arg6[%swap3A_91, %swap3A_92, %swap3A_93], %swap3A_96 {strides = array<i32>} : memref<128x50x128xf32, #tpu.memory_space<vmem>>, vector<128x1x128xf32>,
    %get3A_97 = arith.constant 0 : index
    %get3A_98 = arith.constant 6 : index
    %get3A_99 = vector.load %arg1[%get3A_97, %get3A_98] : memref<128x50xi32, #tpu.memory_space<vmem>>, vector<128x1xi32>
    %iota3A_100 = tpu.iota {dimensions = array<i32: 1>} : vector<128x48xi32>
    %eq3A_101 = vector.broadcast %get3A_99 : vector<128x1xi32> to vector<128x48xi32>
    %eq3A_102 = arith.cmpi eq, %eq3A_101, %iota3A_100 : vector<128x48xi32>
    %convert_element_type3A_103 = arith.extui %eq3A_102 : vector<128x48xi1> to vector<128x48xi32>
    %convert_element_type3A_104 = arith.sitofp %convert_element_type3A_103 : vector<128x48xi32> to vector<128x48xf32>
    %dot_general3A_105 = arith.constant dense<0.000000e+00> : vector<128x128xf32>
    %dot_general3A_106 = tpu.matmul %convert_element_type3A_104, %get3A_3, %dot_general3A_105 {dimension_numbers = #tpu.dot_dimension_numbers<[1], [0], [0], [1], [0, 0, 1, 1], [], []>, transpose_lhs_hint = false} : vector<128x48xf32>, vector<48x128xf32>, vector<128x128xf32> -> vector<128x128xf32>
    %swap3A_107 = arith.constant 0 : index
    %swap3A_108 = arith.constant 6 : index
    %swap3A_109 = arith.constant 0 : index
    %swap3A_110 = vector.load %arg6[%swap3A_107, %swap3A_108, %swap3A_109] : memref<128x50x128xf32, #tpu.memory_space<vmem>>, vector<128x1x128xf32>
    %swap3A_111 = vector.shape_cast %swap3A_110 : vector<128x1x128xf32> to vector<128x128xf32>
    %swap3A_112 = vector.shape_cast %dot_general3A_106 : vector<128x128xf32> to vector<128x1x128xf32>
    tpu.vector_store %arg6[%swap3A_107, %swap3A_108, %swap3A_109], %swap3A_112 {strides = array<i32>} : memref<128x50x128xf32, #tpu.memory_space<vmem>>, vector<128x1x128xf32>,
    %get3A_113 = arith.constant 0 : index
    %get3A_114 = arith.constant 7 : index
    %get3A_115 = vector.load %arg1[%get3A_113, %get3A_114] : memref<128x50xi32, #tpu.memory_space<vmem>>, vector<128x1xi32>
    %iota3A_116 = tpu.iota {dimensions = array<i32: 1>} : vector<128x48xi32>
    %eq3A_117 = vector.broadcast %get3A_115 : vector<128x1xi32> to vector<128x48xi32>
    %eq3A_118 = arith.cmpi eq, %eq3A_117, %iota3A_116 : vector<128x48xi32>
    %convert_element_type3A_119 = arith.extui %eq3A_118 : vector<128x48xi1> to vector<128x48xi32>
    %convert_element_type3A_120 = arith.sitofp %convert_element_type3A_119 : vector<128x48xi32> to vector<128x48xf32>
    %dot_general3A_121 = arith.constant dense<0.000000e+00> : vector<128x128xf32>
    %dot_general3A_122 = tpu.matmul %convert_element_type3A_120, %get3A_3, %dot_general3A_121 {dimension_numbers = #tpu.dot_dimension_numbers<[1], [0], [0], [1], [0, 0, 1, 1], [], []>, transpose_lhs_hint = false} : vector<128x48xf32>, vector<48x128xf32>, vector<128x128xf32> -> vector<128x128xf32>
    %swap3A_123 = arith.constant 0 : index
    %swap3A_124 = arith.constant 7 : index
    %swap3A_125 = arith.constant 0 : index
    %swap3A_126 = vector.load %arg6[%swap3A_123, %swap3A_124, %swap3A_125] : memref<128x50x128xf32, #tpu.memory_space<vmem>>, vector<128x1x128xf32>
    %swap3A_127 = vector.shape_cast %swap3A_126 : vector<128x1x128xf32> to vector<128x128xf32>
    %swap3A_128 = vector.shape_cast %dot_general3A_122 : vector<128x128xf32> to vector<128x1x128xf32>
    tpu.vector_store %arg6[%swap3A_123, %swap3A_124, %swap3A_125], %swap3A_128 {strides = array<i32>} : memref<128x50x128xf32, #tpu.memory_space<vmem>>, vector<128x1x128xf32>,
    %get3A_129 = arith.constant 0 : index
    %get3A_130 = arith.constant 8 : index
    %get3A_131 = vector.load %arg1[%get3A_129, %get3A_130] : memref<128x50xi32, #tpu.memory_space<vmem>>, vector<128x1xi32>
    %iota3A_132 = tpu.iota {dimensions = array<i32: 1>} : vector<128x48xi32>
    %eq3A_133 = vector.broadcast %get3A_131 : vector<128x1xi32> to vector<128x48xi32>
    %eq3A_134 = arith.cmpi eq, %eq3A_133, %iota3A_132 : vector<128x48xi32>
    %convert_element_type3A_135 = arith.extui %eq3A_134 : vector<128x48xi1> to vector<128x48xi32>
    %convert_element_type3A_136 = arith.sitofp %convert_element_type3A_135 : vector<128x48xi32> to vector<128x48xf32>
    %dot_general3A_137 = arith.constant dense<0.000000e+00> : vector<128x128xf32>
    %dot_general3A_138 = tpu.matmul %convert_element_type3A_136, %get3A_3, %dot_general3A_137 {dimension_numbers = #tpu.dot_dimension_numbers<[1], [0], [0], [1], [0, 0, 1, 1], [], []>, transpose_lhs_hint = false} : vector<128x48xf32>, vector<48x128xf32>, vector<128x128xf32> -> vector<128x128xf32>
    %swap3A_139 = arith.constant 0 : index
    %swap3A_140 = arith.constant 8 : index
    %swap3A_141 = arith.constant 0 : index
    %swap3A_142 = vector.load %arg6[%swap3A_139, %swap3A_140, %swap3A_141] : memref<128x50x128xf32, #tpu.memory_space<vmem>>, vector<128x1x128xf32>
    %swap3A_143 = vector.shape_cast %swap3A_142 : vector<128x1x128xf32> to vector<128x128xf32>
    %swap3A_144 = vector.shape_cast %dot_general3A_138 : vector<128x128xf32> to vector<128x1x128xf32>
    tpu.vector_store %arg6[%swap3A_139, %swap3A_140, %swap3A_141], %swap3A_144 {strides = array<i32>} : memref<128x50x128xf32, #tpu.memory_space<vmem>>, vector<128x1x128xf32>,
    %get3A_145 = arith.constant 0 : index
    %get3A_146 = arith.constant 9 : index
    %get3A_147 = vector.load %arg1[%get3A_145, %get3A_146] : memref<128x50xi32, #tpu.memory_space<vmem>>, vector<128x1xi32>
    %iota3A_148 = tpu.iota {dimensions = array<i32: 1>} : vector<128x48xi32>
    %eq3A_149 = vector.broadcast %get3A_147 : vector<128x1xi32> to vector<128x48xi32>
    %eq3A_150 = arith.cmpi eq, %eq3A_149, %iota3A_148 : vector<128x48xi32>
    %convert_element_type3A_151 = arith.extui %eq3A_150 : vector<128x48xi1> to vector<128x48xi32>
    %convert_element_type3A_152 = arith.sitofp %convert_element_type3A_151 : vector<128x48xi32> to vector<128x48xf32>
    %dot_general3A_153 = arith.constant dense<0.000000e+00> : vector<128x128xf32>
    %dot_general3A_154 = tpu.matmul %convert_element_type3A_152, %get3A_3, %dot_general3A_153 {dimension_numbers = #tpu.dot_dimension_numbers<[1], [0], [0], [1], [0, 0, 1, 1], [], []>, transpose_lhs_hint = false} : vector<128x48xf32>, vector<48x128xf32>, vector<128x128xf32> -> vector<128x128xf32>
    %swap3A_155 = arith.constant 0 : index
    %swap3A_156 = arith.constant 9 : index
    %swap3A_157 = arith.constant 0 : index
    %swap3A_158 = vector.load %arg6[%swap3A_155, %swap3A_156, %swap3A_157] : memref<128x50x128xf32, #tpu.memory_space<vmem>>, vector<128x1x128xf32>
    %swap3A_159 = vector.shape_cast %swap3A_158 : vector<128x1x128xf32> to vector<128x128xf32>
    %swap3A_160 = vector.shape_cast %dot_general3A_154 : vector<128x128xf32> to vector<128x1x128xf32>
    tpu.vector_store %arg6[%swap3A_155, %swap3A_156, %swap3A_157], %swap3A_160 {strides = array<i32>} : memref<128x50x128xf32, #tpu.memory_space<vmem>>, vector<128x1x128xf32>,
    %get3A_161 = arith.constant 0 : index
    %get3A_162 = arith.constant 10 : index
    %get3A_163 = vector.load %arg1[%get3A_161, %get3A_162] : memref<128x50xi32, #tpu.memory_space<vmem>>, vector<128x1xi32>
    %iota3A_164 = tpu.iota {dimensions = array<i32: 1>} : vector<128x48xi32>
    %eq3A_165 = vector.broadcast %get3A_163 : vector<128x1xi32> to vector<128x48xi32>
    %eq3A_166 = arith.cmpi eq, %eq3A_165, %iota3A_164 : vector<128x48xi32>
    %convert_element_type3A_167 = arith.extui %eq3A_166 : vector<128x48xi1> to vector<128x48xi32>
    %convert_element_type3A_168 = arith.sitofp %convert_element_type3A_167 : vector<128x48xi32> to vector<128x48xf32>
    %dot_general3A_169 = arith.constant dense<0.000000e+00> : vector<128x128xf32>
    %dot_general3A_170 = tpu.matmul %convert_element_type3A_168, %get3A_3, %dot_general3A_169 {dimension_numbers = #tpu.dot_dimension_numbers<[1], [0], [0], [1], [0, 0, 1, 1], [], []>, transpose_lhs_hint = false} : vector<128x48xf32>, vector<48x128xf32>, vector<128x128xf32> -> vector<128x128xf32>
    %swap3A_171 = arith.constant 0 : index
    %swap3A_172 = arith.constant 10 : index
    %swap3A_173 = arith.constant 0 : index
    %swap3A_174 = vector.load %arg6[%swap3A_171, %swap3A_172, %swap3A_173] : memref<128x50x128xf32, #tpu.memory_space<vmem>>, vector<128x1x128xf32>
    %swap3A_175 = vector.shape_cast %swap3A_174 : vector<128x1x128xf32> to vector<128x128xf32>
    %swap3A_176 = vector.shape_cast %dot_general3A_170 : vector<128x128xf32> to vector<128x1x128xf32>
    tpu.vector_store %arg6[%swap3A_171, %swap3A_172, %swap3A_173], %swap3A_176 {strides = array<i32>} : memref<128x50x128xf32, #tpu.memory_space<vmem>>, vector<128x1x128xf32>,
    %get3A_177 = arith.constant 0 : index
    %get3A_178 = arith.constant 11 : index
    %get3A_179 = vector.load %arg1[%get3A_177, %get3A_178] : memref<128x50xi32, #tpu.memory_space<vmem>>, vector<128x1xi32>
    %iota3A_180 = tpu.iota {dimensions = array<i32: 1>} : vector<128x48xi32>
    %eq3A_181 = vector.broadcast %get3A_179 : vector<128x1xi32> to vector<128x48xi32>
    %eq3A_182 = arith.cmpi eq, %eq3A_181, %iota3A_180 : vector<128x48xi32>
    %convert_element_type3A_183 = arith.extui %eq3A_182 : vector<128x48xi1> to vector<128x48xi32>
    %convert_element_type3A_184 = arith.sitofp %convert_element_type3A_183 : vector<128x48xi32> to vector<128x48xf32>
    %dot_general3A_185 = arith.constant dense<0.000000e+00> : vector<128x128xf32>
    %dot_general3A_186 = tpu.matmul %convert_element_type3A_184, %get3A_3, %dot_general3A_185 {dimension_numbers = #tpu.dot_dimension_numbers<[1], [0], [0], [1], [0, 0, 1, 1], [], []>, transpose_lhs_hint = false} : vector<128x48xf32>, vector<48x128xf32>, vector<128x128xf32> -> vector<128x128xf32>
    %swap3A_187 = arith.constant 0 : index
    %swap3A_188 = arith.constant 11 : index
    %swap3A_189 = arith.constant 0 : index
    %swap3A_190 = vector.load %arg6[%swap3A_187, %swap3A_188, %swap3A_189] : memref<128x50x128xf32, #tpu.memory_space<vmem>>, vector<128x1x128xf32>
    %swap3A_191 = vector.shape_cast %swap3A_190 : vector<128x1x128xf32> to vector<128x128xf32>
    %swap3A_192 = vector.shape_cast %dot_general3A_186 : vector<128x128xf32> to vector<128x1x128xf32>
    tpu.vector_store %arg6[%swap3A_187, %swap3A_188, %swap3A_189], %swap3A_192 {strides = array<i32>} : memref<128x50x128xf32, #tpu.memory_space<vmem>>, vector<128x1x128xf32>,
    %get3A_193 = arith.constant 0 : index
    %get3A_194 = arith.constant 12 : index
    %get3A_195 = vector.load %arg1[%get3A_193, %get3A_194] : memref<128x50xi32, #tpu.memory_space<vmem>>, vector<128x1xi32>
    %iota3A_196 = tpu.iota {dimensions = array<i32: 1>} : vector<128x48xi32>
    %eq3A_197 = vector.broadcast %get3A_195 : vector<128x1xi32> to vector<128x48xi32>
    %eq3A_198 = arith.cmpi eq, %eq3A_197, %iota3A_196 : vector<128x48xi32>
    %convert_element_type3A_199 = arith.extui %eq3A_198 : vector<128x48xi1> to vector<128x48xi32>
    %convert_element_type3A_200 = arith.sitofp %convert_element_type3A_199 : vector<128x48xi32> to vector<128x48xf32>
    %dot_general3A_201 = arith.constant dense<0.000000e+00> : vector<128x128xf32>
    %dot_general3A_202 = tpu.matmul %convert_element_type3A_200, %get3A_3, %dot_general3A_201 {dimension_numbers = #tpu.dot_dimension_numbers<[1], [0], [0], [1], [0, 0, 1, 1], [], []>, transpose_lhs_hint = false} : vector<128x48xf32>, vector<48x128xf32>, vector<128x128xf32> -> vector<128x128xf32>
    %swap3A_203 = arith.constant 0 : index
    %swap3A_204 = arith.constant 12 : index
    %swap3A_205 = arith.constant 0 : index
    %swap3A_206 = vector.load %arg6[%swap3A_203, %swap3A_204, %swap3A_205] : memref<128x50x128xf32, #tpu.memory_space<vmem>>, vector<128x1x128xf32>
    %swap3A_207 = vector.shape_cast %swap3A_206 : vector<128x1x128xf32> to vector<128x128xf32>
    %swap3A_208 = vector.shape_cast %dot_general3A_202 : vector<128x128xf32> to vector<128x1x128xf32>
    tpu.vector_store %arg6[%swap3A_203, %swap3A_204, %swap3A_205], %swap3A_208 {strides = array<i32>} : memref<128x50x128xf32, #tpu.memory_space<vmem>>, vector<128x1x128xf32>,
    %get3A_209 = arith.constant 0 : index
    %get3A_210 = arith.constant 13 : index
    %get3A_211 = vector.load %arg1[%get3A_209, %get3A_210] : memref<128x50xi32, #tpu.memory_space<vmem>>, vector<128x1xi32>
    %iota3A_212 = tpu.iota {dimensions = array<i32: 1>} : vector<128x48xi32>
    %eq3A_213 = vector.broadcast %get3A_211 : vector<128x1xi32> to vector<128x48xi32>
    %eq3A_214 = arith.cmpi eq, %eq3A_213, %iota3A_212 : vector<128x48xi32>
    %convert_element_type3A_215 = arith.extui %eq3A_214 : vector<128x48xi1> to vector<128x48xi32>
    %convert_element_type3A_216 = arith.sitofp %convert_element_type3A_215 : vector<128x48xi32> to vector<128x48xf32>
    %dot_general3A_217 = arith.constant dense<0.000000e+00> : vector<128x128xf32>
    %dot_general3A_218 = tpu.matmul %convert_element_type3A_216, %get3A_3, %dot_general3A_217 {dimension_numbers = #tpu.dot_dimension_numbers<[1], [0], [0], [1], [0, 0, 1, 1], [], []>, transpose_lhs_hint = false} : vector<128x48xf32>, vector<48x128xf32>, vector<128x128xf32> -> vector<128x128xf32>
    %swap3A_219 = arith.constant 0 : index
    %swap3A_220 = arith.constant 13 : index
    %swap3A_221 = arith.constant 0 : index
    %swap3A_222 = vector.load %arg6[%swap3A_219, %swap3A_220, %swap3A_221] : memref<128x50x128xf32, #tpu.memory_space<vmem>>, vector<128x1x128xf32>
    %swap3A_223 = vector.shape_cast %swap3A_222 : vector<128x1x128xf32> to vector<128x128xf32>
    %swap3A_224 = vector.shape_cast %dot_general3A_218 : vector<128x128xf32> to vector<128x1x128xf32>
    tpu.vector_store %arg6[%swap3A_219, %swap3A_220, %swap3A_221], %swap3A_224 {strides = array<i32>} : memref<128x50x128xf32, #tpu.memory_space<vmem>>, vector<128x1x128xf32>,
    %get3A_225 = arith.constant 0 : index
    %get3A_226 = arith.constant 14 : index
    %get3A_227 = vector.load %arg1[%get3A_225, %get3A_226] : memref<128x50xi32, #tpu.memory_space<vmem>>, vector<128x1xi32>
    %iota3A_228 = tpu.iota {dimensions = array<i32: 1>} : vector<128x48xi32>
    %eq3A_229 = vector.broadcast %get3A_227 : vector<128x1xi32> to vector<128x48xi32>
    %eq3A_230 = arith.cmpi eq, %eq3A_229, %iota3A_228 : vector<128x48xi32>
    %convert_element_type3A_231 = arith.extui %eq3A_230 : vector<128x48xi1> to vector<128x48xi32>
    %convert_element_type3A_232 = arith.sitofp %convert_element_type3A_231 : vector<128x48xi32> to vector<128x48xf32>
    %dot_general3A_233 = arith.constant dense<0.000000e+00> : vector<128x128xf32>
    %dot_general3A_234 = tpu.matmul %convert_element_type3A_232, %get3A_3, %dot_general3A_233 {dimension_numbers = #tpu.dot_dimension_numbers<[1], [0], [0], [1], [0, 0, 1, 1], [], []>, transpose_lhs_hint = false} : vector<128x48xf32>, vector<48x128xf32>, vector<128x128xf32> -> vector<128x128xf32>
    %swap3A_235 = arith.constant 0 : index
    %swap3A_236 = arith.constant 14 : index
    %swap3A_237 = arith.constant 0 : index
    %swap3A_238 = vector.load %arg6[%swap3A_235, %swap3A_236, %swap3A_237] : memref<128x50x128xf32, #tpu.memory_space<vmem>>, vector<128x1x128xf32>
    %swap3A_239 = vector.shape_cast %swap3A_238 : vector<128x1x128xf32> to vector<128x128xf32>
    %swap3A_240 = vector.shape_cast %dot_general3A_234 : vector<128x128xf32> to vector<128x1x128xf32>
    tpu.vector_store %arg6[%swap3A_235, %swap3A_236, %swap3A_237], %swap3A_240 {strides = array<i32>} : memref<128x50x128xf32, #tpu.memory_space<vmem>>, vector<128x1x128xf32>,
    %get3A_241 = arith.constant 0 : index
    %get3A_242 = arith.constant 15 : index
    %get3A_243 = vector.load %arg1[%get3A_241, %get3A_242] : memref<128x50xi32, #tpu.memory_space<vmem>>, vector<128x1xi32>
    %iota3A_244 = tpu.iota {dimensions = array<i32: 1>} : vector<128x48xi32>
    %eq3A_245 = vector.broadcast %get3A_243 : vector<128x1xi32> to vector<128x48xi32>
    %eq3A_246 = arith.cmpi eq, %eq3A_245, %iota3A_244 : vector<128x48xi32>
    %convert_element_type3A_247 = arith.extui %eq3A_246 : vector<128x48xi1> to vector<128x48xi32>
    %convert_element_type3A_248 = arith.sitofp %convert_element_type3A_247 : vector<128x48xi32> to vector<128x48xf32>
    %dot_general3A_249 = arith.constant dense<0.000000e+00> : vector<128x128xf32>
    %dot_general3A_250 = tpu.matmul %convert_element_type3A_248, %get3A_3, %dot_general3A_249 {dimension_numbers = #tpu.dot_dimension_numbers<[1], [0], [0], [1], [0, 0, 1, 1], [], []>, transpose_lhs_hint = false} : vector<128x48xf32>, vector<48x128xf32>, vector<128x128xf32> -> vector<128x128xf32>
    %swap3A_251 = arith.constant 0 : index
    %swap3A_252 = arith.constant 15 : index
    %swap3A_253 = arith.constant 0 : index
    %swap3A_254 = vector.load %arg6[%swap3A_251, %swap3A_252, %swap3A_253] : memref<128x50x128xf32, #tpu.memory_space<vmem>>, vector<128x1x128xf32>
    %swap3A_255 = vector.shape_cast %swap3A_254 : vector<128x1x128xf32> to vector<128x128xf32>
    %swap3A_256 = vector.shape_cast %dot_general3A_250 : vector<128x128xf32> to vector<128x1x128xf32>
    tpu.vector_store %arg6[%swap3A_251, %swap3A_252, %swap3A_253], %swap3A_256 {strides = array<i32>} : memref<128x50x128xf32, #tpu.memory_space<vmem>>, vector<128x1x128xf32>,
    %get3A_257 = arith.constant 0 : index
    %get3A_258 = arith.constant 16 : index
    %get3A_259 = vector.load %arg1[%get3A_257, %get3A_258] : memref<128x50xi32, #tpu.memory_space<vmem>>, vector<128x1xi32>
    %iota3A_260 = tpu.iota {dimensions = array<i32: 1>} : vector<128x48xi32>
    %eq3A_261 = vector.broadcast %get3A_259 : vector<128x1xi32> to vector<128x48xi32>
    %eq3A_262 = arith.cmpi eq, %eq3A_261, %iota3A_260 : vector<128x48xi32>
    %convert_element_type3A_263 = arith.extui %eq3A_262 : vector<128x48xi1> to vector<128x48xi32>
    %convert_element_type3A_264 = arith.sitofp %convert_element_type3A_263 : vector<128x48xi32> to vector<128x48xf32>
    %dot_general3A_265 = arith.constant dense<0.000000e+00> : vector<128x128xf32>
    %dot_general3A_266 = tpu.matmul %convert_element_type3A_264, %get3A_3, %dot_general3A_265 {dimension_numbers = #tpu.dot_dimension_numbers<[1], [0], [0], [1], [0, 0, 1, 1], [], []>, transpose_lhs_hint = false} : vector<128x48xf32>, vector<48x128xf32>, vector<128x128xf32> -> vector<128x128xf32>
    %swap3A_267 = arith.constant 0 : index
    %swap3A_268 = arith.constant 16 : index
    %swap3A_269 = arith.constant 0 : index
    %swap3A_270 = vector.load %arg6[%swap3A_267, %swap3A_268, %swap3A_269] : memref<128x50x128xf32, #tpu.memory_space<vmem>>, vector<128x1x128xf32>
    %swap3A_271 = vector.shape_cast %swap3A_270 : vector<128x1x128xf32> to vector<128x128xf32>
    %swap3A_272 = vector.shape_cast %dot_general3A_266 : vector<128x128xf32> to vector<128x1x128xf32>
    tpu.vector_store %arg6[%swap3A_267, %swap3A_268, %swap3A_269], %swap3A_272 {strides = array<i32>} : memref<128x50x128xf32, #tpu.memory_space<vmem>>, vector<128x1x128xf32>,
    %get3A_273 = arith.constant 0 : index
    %get3A_274 = arith.constant 17 : index
    %get3A_275 = vector.load %arg1[%get3A_273, %get3A_274] : memref<128x50xi32, #tpu.memory_space<vmem>>, vector<128x1xi32>
    %iota3A_276 = tpu.iota {dimensions = array<i32: 1>} : vector<128x48xi32>
    %eq3A_277 = vector.broadcast %get3A_275 : vector<128x1xi32> to vector<128x48xi32>
    %eq3A_278 = arith.cmpi eq, %eq3A_277, %iota3A_276 : vector<128x48xi32>
    %convert_element_type3A_279 = arith.extui %eq3A_278 : vector<128x48xi1> to vector<128x48xi32>
    %convert_element_type3A_280 = arith.sitofp %convert_element_type3A_279 : vector<128x48xi32> to vector<128x48xf32>
    %dot_general3A_281 = arith.constant dense<0.000000e+00> : vector<128x128xf32>
    %dot_general3A_282 = tpu.matmul %convert_element_type3A_280, %get3A_3, %dot_general3A_281 {dimension_numbers = #tpu.dot_dimension_numbers<[1], [0], [0], [1], [0, 0, 1, 1], [], []>, transpose_lhs_hint = false} : vector<128x48xf32>, vector<48x128xf32>, vector<128x128xf32> -> vector<128x128xf32>
    %swap3A_283 = arith.constant 0 : index
    %swap3A_284 = arith.constant 17 : index
    %swap3A_285 = arith.constant 0 : index
    %swap3A_286 = vector.load %arg6[%swap3A_283, %swap3A_284, %swap3A_285] : memref<128x50x128xf32, #tpu.memory_space<vmem>>, vector<128x1x128xf32>
    %swap3A_287 = vector.shape_cast %swap3A_286 : vector<128x1x128xf32> to vector<128x128xf32>
    %swap3A_288 = vector.shape_cast %dot_general3A_282 : vector<128x128xf32> to vector<128x1x128xf32>
    tpu.vector_store %arg6[%swap3A_283, %swap3A_284, %swap3A_285], %swap3A_288 {strides = array<i32>} : memref<128x50x128xf32, #tpu.memory_space<vmem>>, vector<128x1x128xf32>,
    %get3A_289 = arith.constant 0 : index
    %get3A_290 = arith.constant 18 : index
    %get3A_291 = vector.load %arg1[%get3A_289, %get3A_290] : memref<128x50xi32, #tpu.memory_space<vmem>>, vector<128x1xi32>
    %iota3A_292 = tpu.iota {dimensions = array<i32: 1>} : vector<128x48xi32>
    %eq3A_293 = vector.broadcast %get3A_291 : vector<128x1xi32> to vector<128x48xi32>
    %eq3A_294 = arith.cmpi eq, %eq3A_293, %iota3A_292 : vector<128x48xi32>
    %convert_element_type3A_295 = arith.extui %eq3A_294 : vector<128x48xi1> to vector<128x48xi32>
    %convert_element_type3A_296 = arith.sitofp %convert_element_type3A_295 : vector<128x48xi32> to vector<128x48xf32>
    %dot_general3A_297 = arith.constant dense<0.000000e+00> : vector<128x128xf32>
    %dot_general3A_298 = tpu.matmul %convert_element_type3A_296, %get3A_3, %dot_general3A_297 {dimension_numbers = #tpu.dot_dimension_numbers<[1], [0], [0], [1], [0, 0, 1, 1], [], []>, transpose_lhs_hint = false} : vector<128x48xf32>, vector<48x128xf32>, vector<128x128xf32> -> vector<128x128xf32>
    %swap3A_299 = arith.constant 0 : index
    %swap3A_300 = arith.constant 18 : index
    %swap3A_301 = arith.constant 0 : index
    %swap3A_302 = vector.load %arg6[%swap3A_299, %swap3A_300, %swap3A_301] : memref<128x50x128xf32, #tpu.memory_space<vmem>>, vector<128x1x128xf32>
    %swap3A_303 = vector.shape_cast %swap3A_302 : vector<128x1x128xf32> to vector<128x128xf32>
    %swap3A_304 = vector.shape_cast %dot_general3A_298 : vector<128x128xf32> to vector<128x1x128xf32>
    tpu.vector_store %arg6[%swap3A_299, %swap3A_300, %swap3A_301], %swap3A_304 {strides = array<i32>} : memref<128x50x128xf32, #tpu.memory_space<vmem>>, vector<128x1x128xf32>,
    %get3A_305 = arith.constant 0 : index
    %get3A_306 = arith.constant 19 : index
    %get3A_307 = vector.load %arg1[%get3A_305, %get3A_306] : memref<128x50xi32, #tpu.memory_space<vmem>>, vector<128x1xi32>
    %iota3A_308 = tpu.iota {dimensions = array<i32: 1>} : vector<128x48xi32>
    %eq3A_309 = vector.broadcast %get3A_307 : vector<128x1xi32> to vector<128x48xi32>
    %eq3A_310 = arith.cmpi eq, %eq3A_309, %iota3A_308 : vector<128x48xi32>
    %convert_element_type3A_311 = arith.extui %eq3A_310 : vector<128x48xi1> to vector<128x48xi32>
    %convert_element_type3A_312 = arith.sitofp %convert_element_type3A_311 : vector<128x48xi32> to vector<128x48xf32>
    %dot_general3A_313 = arith.constant dense<0.000000e+00> : vector<128x128xf32>
    %dot_general3A_314 = tpu.matmul %convert_element_type3A_312, %get3A_3, %dot_general3A_313 {dimension_numbers = #tpu.dot_dimension_numbers<[1], [0], [0], [1], [0, 0, 1, 1], [], []>, transpose_lhs_hint = false} : vector<128x48xf32>, vector<48x128xf32>, vector<128x128xf32> -> vector<128x128xf32>
    %swap3A_315 = arith.constant 0 : index
    %swap3A_316 = arith.constant 19 : index
    %swap3A_317 = arith.constant 0 : index
    %swap3A_318 = vector.load %arg6[%swap3A_315, %swap3A_316, %swap3A_317] : memref<128x50x128xf32, #tpu.memory_space<vmem>>, vector<128x1x128xf32>
    %swap3A_319 = vector.shape_cast %swap3A_318 : vector<128x1x128xf32> to vector<128x128xf32>
    %swap3A_320 = vector.shape_cast %dot_general3A_314 : vector<128x128xf32> to vector<128x1x128xf32>
    tpu.vector_store %arg6[%swap3A_315, %swap3A_316, %swap3A_317], %swap3A_320 {strides = array<i32>} : memref<128x50x128xf32, #tpu.memory_space<vmem>>, vector<128x1x128xf32>,
    %get3A_321 = arith.constant 0 : index
    %get3A_322 = arith.constant 20 : index
    %get3A_323 = vector.load %arg1[%get3A_321, %get3A_322] : memref<128x50xi32, #tpu.memory_space<vmem>>, vector<128x1xi32>
    %iota3A_324 = tpu.iota {dimensions = array<i32: 1>} : vector<128x48xi32>
    %eq3A_325 = vector.broadcast %get3A_323 : vector<128x1xi32> to vector<128x48xi32>
    %eq3A_326 = arith.cmpi eq, %eq3A_325, %iota3A_324 : vector<128x48xi32>
    %convert_element_type3A_327 = arith.extui %eq3A_326 : vector<128x48xi1> to vector<128x48xi32>
    %convert_element_type3A_328 = arith.sitofp %convert_element_type3A_327 : vector<128x48xi32> to vector<128x48xf32>
    %dot_general3A_329 = arith.constant dense<0.000000e+00> : vector<128x128xf32>
    %dot_general3A_330 = tpu.matmul %convert_element_type3A_328, %get3A_3, %dot_general3A_329 {dimension_numbers = #tpu.dot_dimension_numbers<[1], [0], [0], [1], [0, 0, 1, 1], [], []>, transpose_lhs_hint = false} : vector<128x48xf32>, vector<48x128xf32>, vector<128x128xf32> -> vector<128x128xf32>
    %swap3A_331 = arith.constant 0 : index
    %swap3A_332 = arith.constant 20 : index
    %swap3A_333 = arith.constant 0 : index
    %swap3A_334 = vector.load %arg6[%swap3A_331, %swap3A_332, %swap3A_333] : memref<128x50x128xf32, #tpu.memory_space<vmem>>, vector<128x1x128xf32>
    %swap3A_335 = vector.shape_cast %swap3A_334 : vector<128x1x128xf32> to vector<128x128xf32>
    %swap3A_336 = vector.shape_cast %dot_general3A_330 : vector<128x128xf32> to vector<128x1x128xf32>
    tpu.vector_store %arg6[%swap3A_331, %swap3A_332, %swap3A_333], %swap3A_336 {strides = array<i32>} : memref<128x50x128xf32, #tpu.memory_space<vmem>>, vector<128x1x128xf32>,
    %get3A_337 = arith.constant 0 : index
    %get3A_338 = arith.constant 21 : index
    %get3A_339 = vector.load %arg1[%get3A_337, %get3A_338] : memref<128x50xi32, #tpu.memory_space<vmem>>, vector<128x1xi32>
    %iota3A_340 = tpu.iota {dimensions = array<i32: 1>} : vector<128x48xi32>
    %eq3A_341 = vector.broadcast %get3A_339 : vector<128x1xi32> to vector<128x48xi32>
    %eq3A_342 = arith.cmpi eq, %eq3A_341, %iota3A_340 : vector<128x48xi32>
    %convert_element_type3A_343 = arith.extui %eq3A_342 : vector<128x48xi1> to vector<128x48xi32>
    %convert_element_type3A_344 = arith.sitofp %convert_element_type3A_343 : vector<128x48xi32> to vector<128x48xf32>
    %dot_general3A_345 = arith.constant dense<0.000000e+00> : vector<128x128xf32>
    %dot_general3A_346 = tpu.matmul %convert_element_type3A_344, %get3A_3, %dot_general3A_345 {dimension_numbers = #tpu.dot_dimension_numbers<[1], [0], [0], [1], [0, 0, 1, 1], [], []>, transpose_lhs_hint = false} : vector<128x48xf32>, vector<48x128xf32>, vector<128x128xf32> -> vector<128x128xf32>
    %swap3A_347 = arith.constant 0 : index
    %swap3A_348 = arith.constant 21 : index
    %swap3A_349 = arith.constant 0 : index
    %swap3A_350 = vector.load %arg6[%swap3A_347, %swap3A_348, %swap3A_349] : memref<128x50x128xf32, #tpu.memory_space<vmem>>, vector<128x1x128xf32>
    %swap3A_351 = vector.shape_cast %swap3A_350 : vector<128x1x128xf32> to vector<128x128xf32>
    %swap3A_352 = vector.shape_cast %dot_general3A_346 : vector<128x128xf32> to vector<128x1x128xf32>
    tpu.vector_store %arg6[%swap3A_347, %swap3A_348, %swap3A_349], %swap3A_352 {strides = array<i32>} : memref<128x50x128xf32, #tpu.memory_space<vmem>>, vector<128x1x128xf32>,
    %get3A_353 = arith.constant 0 : index
    %get3A_354 = arith.constant 22 : index
    %get3A_355 = vector.load %arg1[%get3A_353, %get3A_354] : memref<128x50xi32, #tpu.memory_space<vmem>>, vector<128x1xi32>
    %iota3A_356 = tpu.iota {dimensions = array<i32: 1>} : vector<128x48xi32>
    %eq3A_357 = vector.broadcast %get3A_355 : vector<128x1xi32> to vector<128x48xi32>
    %eq3A_358 = arith.cmpi eq, %eq3A_357, %iota3A_356 : vector<128x48xi32>
    %convert_element_type3A_359 = arith.extui %eq3A_358 : vector<128x48xi1> to vector<128x48xi32>
    %convert_element_type3A_360 = arith.sitofp %convert_element_type3A_359 : vector<128x48xi32> to vector<128x48xf32>
    %dot_general3A_361 = arith.constant dense<0.000000e+00> : vector<128x128xf32>
    %dot_general3A_362 = tpu.matmul %convert_element_type3A_360, %get3A_3, %dot_general3A_361 {dimension_numbers = #tpu.dot_dimension_numbers<[1], [0], [0], [1], [0, 0, 1, 1], [], []>, transpose_lhs_hint = false} : vector<128x48xf32>, vector<48x128xf32>, vector<128x128xf32> -> vector<128x128xf32>
    %swap3A_363 = arith.constant 0 : index
    %swap3A_364 = arith.constant 22 : index
    %swap3A_365 = arith.constant 0 : index
    %swap3A_366 = vector.load %arg6[%swap3A_363, %swap3A_364, %swap3A_365] : memref<128x50x128xf32, #tpu.memory_space<vmem>>, vector<128x1x128xf32>
    %swap3A_367 = vector.shape_cast %swap3A_366 : vector<128x1x128xf32> to vector<128x128xf32>
    %swap3A_368 = vector.shape_cast %dot_general3A_362 : vector<128x128xf32> to vector<128x1x128xf32>
    tpu.vector_store %arg6[%swap3A_363, %swap3A_364, %swap3A_365], %swap3A_368 {strides = array<i32>} : memref<128x50x128xf32, #tpu.memory_space<vmem>>, vector<128x1x128xf32>,
    %get3A_369 = arith.constant 0 : index
    %get3A_370 = arith.constant 23 : index
    %get3A_371 = vector.load %arg1[%get3A_369, %get3A_370] : memref<128x50xi32, #tpu.memory_space<vmem>>, vector<128x1xi32>
    %iota3A_372 = tpu.iota {dimensions = array<i32: 1>} : vector<128x48xi32>
    %eq3A_373 = vector.broadcast %get3A_371 : vector<128x1xi32> to vector<128x48xi32>
    %eq3A_374 = arith.cmpi eq, %eq3A_373, %iota3A_372 : vector<128x48xi32>
    %convert_element_type3A_375 = arith.extui %eq3A_374 : vector<128x48xi1> to vector<128x48xi32>
    %convert_element_type3A_376 = arith.sitofp %convert_element_type3A_375 : vector<128x48xi32> to vector<128x48xf32>
    %dot_general3A_377 = arith.constant dense<0.000000e+00> : vector<128x128xf32>
    %dot_general3A_378 = tpu.matmul %convert_element_type3A_376, %get3A_3, %dot_general3A_377 {dimension_numbers = #tpu.dot_dimension_numbers<[1], [0], [0], [1], [0, 0, 1, 1], [], []>, transpose_lhs_hint = false} : vector<128x48xf32>, vector<48x128xf32>, vector<128x128xf32> -> vector<128x128xf32>
    %swap3A_379 = arith.constant 0 : index
    %swap3A_380 = arith.constant 23 : index
    %swap3A_381 = arith.constant 0 : index
    %swap3A_382 = vector.load %arg6[%swap3A_379, %swap3A_380, %swap3A_381] : memref<128x50x128xf32, #tpu.memory_space<vmem>>, vector<128x1x128xf32>
    %swap3A_383 = vector.shape_cast %swap3A_382 : vector<128x1x128xf32> to vector<128x128xf32>
    %swap3A_384 = vector.shape_cast %dot_general3A_378 : vector<128x128xf32> to vector<128x1x128xf32>
    tpu.vector_store %arg6[%swap3A_379, %swap3A_380, %swap3A_381], %swap3A_384 {strides = array<i32>} : memref<128x50x128xf32, #tpu.memory_space<vmem>>, vector<128x1x128xf32>,
    %get3A_385 = arith.constant 0 : index
    %get3A_386 = arith.constant 24 : index
    %get3A_387 = vector.load %arg1[%get3A_385, %get3A_386] : memref<128x50xi32, #tpu.memory_space<vmem>>, vector<128x1xi32>
    %iota3A_388 = tpu.iota {dimensions = array<i32: 1>} : vector<128x48xi32>
    %eq3A_389 = vector.broadcast %get3A_387 : vector<128x1xi32> to vector<128x48xi32>
    %eq3A_390 = arith.cmpi eq, %eq3A_389, %iota3A_388 : vector<128x48xi32>
    %convert_element_type3A_391 = arith.extui %eq3A_390 : vector<128x48xi1> to vector<128x48xi32>
    %convert_element_type3A_392 = arith.sitofp %convert_element_type3A_391 : vector<128x48xi32> to vector<128x48xf32>
    %dot_general3A_393 = arith.constant dense<0.000000e+00> : vector<128x128xf32>
    %dot_general3A_394 = tpu.matmul %convert_element_type3A_392, %get3A_3, %dot_general3A_393 {dimension_numbers = #tpu.dot_dimension_numbers<[1], [0], [0], [1], [0, 0, 1, 1], [], []>, transpose_lhs_hint = false} : vector<128x48xf32>, vector<48x128xf32>, vector<128x128xf32> -> vector<128x128xf32>
    %swap3A_395 = arith.constant 0 : index
    %swap3A_396 = arith.constant 24 : index
    %swap3A_397 = arith.constant 0 : index
    %swap3A_398 = vector.load %arg6[%swap3A_395, %swap3A_396, %swap3A_397] : memref<128x50x128xf32, #tpu.memory_space<vmem>>, vector<128x1x128xf32>
    %swap3A_399 = vector.shape_cast %swap3A_398 : vector<128x1x128xf32> to vector<128x128xf32>
    %swap3A_400 = vector.shape_cast %dot_general3A_394 : vector<128x128xf32> to vector<128x1x128xf32>
    tpu.vector_store %arg6[%swap3A_395, %swap3A_396, %swap3A_397], %swap3A_400 {strides = array<i32>} : memref<128x50x128xf32, #tpu.memory_space<vmem>>, vector<128x1x128xf32>,
    %get3A_401 = arith.constant 0 : index
    %get3A_402 = arith.constant 25 : index
    %get3A_403 = vector.load %arg1[%get3A_401, %get3A_402] : memref<128x50xi32, #tpu.memory_space<vmem>>, vector<128x1xi32>
    %iota3A_404 = tpu.iota {dimensions = array<i32: 1>} : vector<128x48xi32>
    %eq3A_405 = vector.broadcast %get3A_403 : vector<128x1xi32> to vector<128x48xi32>
    %eq3A_406 = arith.cmpi eq, %eq3A_405, %iota3A_404 : vector<128x48xi32>
    %convert_element_type3A_407 = arith.extui %eq3A_406 : vector<128x48xi1> to vector<128x48xi32>
    %convert_element_type3A_408 = arith.sitofp %convert_element_type3A_407 : vector<128x48xi32> to vector<128x48xf32>
    %dot_general3A_409 = arith.constant dense<0.000000e+00> : vector<128x128xf32>
    %dot_general3A_410 = tpu.matmul %convert_element_type3A_408, %get3A_3, %dot_general3A_409 {dimension_numbers = #tpu.dot_dimension_numbers<[1], [0], [0], [1], [0, 0, 1, 1], [], []>, transpose_lhs_hint = false} : vector<128x48xf32>, vector<48x128xf32>, vector<128x128xf32> -> vector<128x128xf32>
    %swap3A_411 = arith.constant 0 : index
    %swap3A_412 = arith.constant 25 : index
    %swap3A_413 = arith.constant 0 : index
    %swap3A_414 = vector.load %arg6[%swap3A_411, %swap3A_412, %swap3A_413] : memref<128x50x128xf32, #tpu.memory_space<vmem>>, vector<128x1x128xf32>
    %swap3A_415 = vector.shape_cast %swap3A_414 : vector<128x1x128xf32> to vector<128x128xf32>
    %swap3A_416 = vector.shape_cast %dot_general3A_410 : vector<128x128xf32> to vector<128x1x128xf32>
    tpu.vector_store %arg6[%swap3A_411, %swap3A_412, %swap3A_413], %swap3A_416 {strides = array<i32>} : memref<128x50x128xf32, #tpu.memory_space<vmem>>, vector<128x1x128xf32>,
    %get3A_417 = arith.constant 0 : index
    %get3A_418 = arith.constant 26 : index
    %get3A_419 = vector.load %arg1[%get3A_417, %get3A_418] : memref<128x50xi32, #tpu.memory_space<vmem>>, vector<128x1xi32>
    %iota3A_420 = tpu.iota {dimensions = array<i32: 1>} : vector<128x48xi32>
    %eq3A_421 = vector.broadcast %get3A_419 : vector<128x1xi32> to vector<128x48xi32>
    %eq3A_422 = arith.cmpi eq, %eq3A_421, %iota3A_420 : vector<128x48xi32>
    %convert_element_type3A_423 = arith.extui %eq3A_422 : vector<128x48xi1> to vector<128x48xi32>
    %convert_element_type3A_424 = arith.sitofp %convert_element_type3A_423 : vector<128x48xi32> to vector<128x48xf32>
    %dot_general3A_425 = arith.constant dense<0.000000e+00> : vector<128x128xf32>
    %dot_general3A_426 = tpu.matmul %convert_element_type3A_424, %get3A_3, %dot_general3A_425 {dimension_numbers = #tpu.dot_dimension_numbers<[1], [0], [0], [1], [0, 0, 1, 1], [], []>, transpose_lhs_hint = false} : vector<128x48xf32>, vector<48x128xf32>, vector<128x128xf32> -> vector<128x128xf32>
    %swap3A_427 = arith.constant 0 : index
    %swap3A_428 = arith.constant 26 : index
    %swap3A_429 = arith.constant 0 : index
    %swap3A_430 = vector.load %arg6[%swap3A_427, %swap3A_428, %swap3A_429] : memref<128x50x128xf32, #tpu.memory_space<vmem>>, vector<128x1x128xf32>
    %swap3A_431 = vector.shape_cast %swap3A_430 : vector<128x1x128xf32> to vector<128x128xf32>
    %swap3A_432 = vector.shape_cast %dot_general3A_426 : vector<128x128xf32> to vector<128x1x128xf32>
    tpu.vector_store %arg6[%swap3A_427, %swap3A_428, %swap3A_429], %swap3A_432 {strides = array<i32>} : memref<128x50x128xf32, #tpu.memory_space<vmem>>, vector<128x1x128xf32>,
    %get3A_433 = arith.constant 0 : index
    %get3A_434 = arith.constant 27 : index
    %get3A_435 = vector.load %arg1[%get3A_433, %get3A_434] : memref<128x50xi32, #tpu.memory_space<vmem>>, vector<128x1xi32>
    %iota3A_436 = tpu.iota {dimensions = array<i32: 1>} : vector<128x48xi32>
    %eq3A_437 = vector.broadcast %get3A_435 : vector<128x1xi32> to vector<128x48xi32>
    %eq3A_438 = arith.cmpi eq, %eq3A_437, %iota3A_436 : vector<128x48xi32>
    %convert_element_type3A_439 = arith.extui %eq3A_438 : vector<128x48xi1> to vector<128x48xi32>
    %convert_element_type3A_440 = arith.sitofp %convert_element_type3A_439 : vector<128x48xi32> to vector<128x48xf32>
    %dot_general3A_441 = arith.constant dense<0.000000e+00> : vector<128x128xf32>
    %dot_general3A_442 = tpu.matmul %convert_element_type3A_440, %get3A_3, %dot_general3A_441 {dimension_numbers = #tpu.dot_dimension_numbers<[1], [0], [0], [1], [0, 0, 1, 1], [], []>, transpose_lhs_hint = false} : vector<128x48xf32>, vector<48x128xf32>, vector<128x128xf32> -> vector<128x128xf32>
    %swap3A_443 = arith.constant 0 : index
    %swap3A_444 = arith.constant 27 : index
    %swap3A_445 = arith.constant 0 : index
    %swap3A_446 = vector.load %arg6[%swap3A_443, %swap3A_444, %swap3A_445] : memref<128x50x128xf32, #tpu.memory_space<vmem>>, vector<128x1x128xf32>
    %swap3A_447 = vector.shape_cast %swap3A_446 : vector<128x1x128xf32> to vector<128x128xf32>
    %swap3A_448 = vector.shape_cast %dot_general3A_442 : vector<128x128xf32> to vector<128x1x128xf32>
    tpu.vector_store %arg6[%swap3A_443, %swap3A_444, %swap3A_445], %swap3A_448 {strides = array<i32>} : memref<128x50x128xf32, #tpu.memory_space<vmem>>, vector<128x1x128xf32>,
    %get3A_449 = arith.constant 0 : index
    %get3A_450 = arith.constant 28 : index
    %get3A_451 = vector.load %arg1[%get3A_449, %get3A_450] : memref<128x50xi32, #tpu.memory_space<vmem>>, vector<128x1xi32>
    %iota3A_452 = tpu.iota {dimensions = array<i32: 1>} : vector<128x48xi32>
    %eq3A_453 = vector.broadcast %get3A_451 : vector<128x1xi32> to vector<128x48xi32>
    %eq3A_454 = arith.cmpi eq, %eq3A_453, %iota3A_452 : vector<128x48xi32>
    %convert_element_type3A_455 = arith.extui %eq3A_454 : vector<128x48xi1> to vector<128x48xi32>
    %convert_element_type3A_456 = arith.sitofp %convert_element_type3A_455 : vector<128x48xi32> to vector<128x48xf32>
    %dot_general3A_457 = arith.constant dense<0.000000e+00> : vector<128x128xf32>
    %dot_general3A_458 = tpu.matmul %convert_element_type3A_456, %get3A_3, %dot_general3A_457 {dimension_numbers = #tpu.dot_dimension_numbers<[1], [0], [0], [1], [0, 0, 1, 1], [], []>, transpose_lhs_hint = false} : vector<128x48xf32>, vector<48x128xf32>, vector<128x128xf32> -> vector<128x128xf32>
    %swap3A_459 = arith.constant 0 : index
    %swap3A_460 = arith.constant 28 : index
    %swap3A_461 = arith.constant 0 : index
    %swap3A_462 = vector.load %arg6[%swap3A_459, %swap3A_460, %swap3A_461] : memref<128x50x128xf32, #tpu.memory_space<vmem>>, vector<128x1x128xf32>
    %swap3A_463 = vector.shape_cast %swap3A_462 : vector<128x1x128xf32> to vector<128x128xf32>
    %swap3A_464 = vector.shape_cast %dot_general3A_458 : vector<128x128xf32> to vector<128x1x128xf32>
    tpu.vector_store %arg6[%swap3A_459, %swap3A_460, %swap3A_461], %swap3A_464 {strides = array<i32>} : memref<128x50x128xf32, #tpu.memory_space<vmem>>, vector<128x1x128xf32>,
    %get3A_465 = arith.constant 0 : index
    %get3A_466 = arith.constant 29 : index
    %get3A_467 = vector.load %arg1[%get3A_465, %get3A_466] : memref<128x50xi32, #tpu.memory_space<vmem>>, vector<128x1xi32>
    %iota3A_468 = tpu.iota {dimensions = array<i32: 1>} : vector<128x48xi32>
    %eq3A_469 = vector.broadcast %get3A_467 : vector<128x1xi32> to vector<128x48xi32>
    %eq3A_470 = arith.cmpi eq, %eq3A_469, %iota3A_468 : vector<128x48xi32>
    %convert_element_type3A_471 = arith.extui %eq3A_470 : vector<128x48xi1> to vector<128x48xi32>
    %convert_element_type3A_472 = arith.sitofp %convert_element_type3A_471 : vector<128x48xi32> to vector<128x48xf32>
    %dot_general3A_473 = arith.constant dense<0.000000e+00> : vector<128x128xf32>
    %dot_general3A_474 = tpu.matmul %convert_element_type3A_472, %get3A_3, %dot_general3A_473 {dimension_numbers = #tpu.dot_dimension_numbers<[1], [0], [0], [1], [0, 0, 1, 1], [], []>, transpose_lhs_hint = false} : vector<128x48xf32>, vector<48x128xf32>, vector<128x128xf32> -> vector<128x128xf32>
    %swap3A_475 = arith.constant 0 : index
    %swap3A_476 = arith.constant 29 : index
    %swap3A_477 = arith.constant 0 : index
    %swap3A_478 = vector.load %arg6[%swap3A_475, %swap3A_476, %swap3A_477] : memref<128x50x128xf32, #tpu.memory_space<vmem>>, vector<128x1x128xf32>
    %swap3A_479 = vector.shape_cast %swap3A_478 : vector<128x1x128xf32> to vector<128x128xf32>
    %swap3A_480 = vector.shape_cast %dot_general3A_474 : vector<128x128xf32> to vector<128x1x128xf32>
    tpu.vector_store %arg6[%swap3A_475, %swap3A_476, %swap3A_477], %swap3A_480 {strides = array<i32>} : memref<128x50x128xf32, #tpu.memory_space<vmem>>, vector<128x1x128xf32>,
    %get3A_481 = arith.constant 0 : index
    %get3A_482 = arith.constant 30 : index
    %get3A_483 = vector.load %arg1[%get3A_481, %get3A_482] : memref<128x50xi32, #tpu.memory_space<vmem>>, vector<128x1xi32>
    %iota3A_484 = tpu.iota {dimensions = array<i32: 1>} : vector<128x48xi32>
    %eq3A_485 = vector.broadcast %get3A_483 : vector<128x1xi32> to vector<128x48xi32>
    %eq3A_486 = arith.cmpi eq, %eq3A_485, %iota3A_484 : vector<128x48xi32>
    %convert_element_type3A_487 = arith.extui %eq3A_486 : vector<128x48xi1> to vector<128x48xi32>
    %convert_element_type3A_488 = arith.sitofp %convert_element_type3A_487 : vector<128x48xi32> to vector<128x48xf32>
    %dot_general3A_489 = arith.constant dense<0.000000e+00> : vector<128x128xf32>
    %dot_general3A_490 = tpu.matmul %convert_element_type3A_488, %get3A_3, %dot_general3A_489 {dimension_numbers = #tpu.dot_dimension_numbers<[1], [0], [0], [1], [0, 0, 1, 1], [], []>, transpose_lhs_hint = false} : vector<128x48xf32>, vector<48x128xf32>, vector<128x128xf32> -> vector<128x128xf32>
    %swap3A_491 = arith.constant 0 : index
    %swap3A_492 = arith.constant 30 : index
    %swap3A_493 = arith.constant 0 : index
    %swap3A_494 = vector.load %arg6[%swap3A_491, %swap3A_492, %swap3A_493] : memref<128x50x128xf32, #tpu.memory_space<vmem>>, vector<128x1x128xf32>
    %swap3A_495 = vector.shape_cast %swap3A_494 : vector<128x1x128xf32> to vector<128x128xf32>
    %swap3A_496 = vector.shape_cast %dot_general3A_490 : vector<128x128xf32> to vector<128x1x128xf32>
    tpu.vector_store %arg6[%swap3A_491, %swap3A_492, %swap3A_493], %swap3A_496 {strides = array<i32>} : memref<128x50x128xf32, #tpu.memory_space<vmem>>, vector<128x1x128xf32>,
    %get3A_497 = arith.constant 0 : index
    %get3A_498 = arith.constant 31 : index
    %get3A_499 = vector.load %arg1[%get3A_497, %get3A_498] : memref<128x50xi32, #tpu.memory_space<vmem>>, vector<128x1xi32>
    %iota3A_500 = tpu.iota {dimensions = array<i32: 1>} : vector<128x48xi32>
    %eq3A_501 = vector.broadcast %get3A_499 : vector<128x1xi32> to vector<128x48xi32>
    %eq3A_502 = arith.cmpi eq, %eq3A_501, %iota3A_500 : vector<128x48xi32>
    %convert_element_type3A_503 = arith.extui %eq3A_502 : vector<128x48xi1> to vector<128x48xi32>
    %convert_element_type3A_504 = arith.sitofp %convert_element_type3A_503 : vector<128x48xi32> to vector<128x48xf32>
    %dot_general3A_505 = arith.constant dense<0.000000e+00> : vector<128x128xf32>
    %dot_general3A_506 = tpu.matmul %convert_element_type3A_504, %get3A_3, %dot_general3A_505 {dimension_numbers = #tpu.dot_dimension_numbers<[1], [0], [0], [1], [0, 0, 1, 1], [], []>, transpose_lhs_hint = false} : vector<128x48xf32>, vector<48x128xf32>, vector<128x128xf32> -> vector<128x128xf32>
    %swap3A_507 = arith.constant 0 : index
    %swap3A_508 = arith.constant 31 : index
    %swap3A_509 = arith.constant 0 : index
    %swap3A_510 = vector.load %arg6[%swap3A_507, %swap3A_508, %swap3A_509] : memref<128x50x128xf32, #tpu.memory_space<vmem>>, vector<128x1x128xf32>
    %swap3A_511 = vector.shape_cast %swap3A_510 : vector<128x1x128xf32> to vector<128x128xf32>
    %swap3A_512 = vector.shape_cast %dot_general3A_506 : vector<128x128xf32> to vector<128x1x128xf32>
    tpu.vector_store %arg6[%swap3A_507, %swap3A_508, %swap3A_509], %swap3A_512 {strides = array<i32>} : memref<128x50x128xf32, #tpu.memory_space<vmem>>, vector<128x1x128xf32>,
    %get3A_513 = arith.constant 0 : index
    %get3A_514 = arith.constant 32 : index
    %get3A_515 = vector.load %arg1[%get3A_513, %get3A_514] : memref<128x50xi32, #tpu.memory_space<vmem>>, vector<128x1xi32>
    %iota3A_516 = tpu.iota {dimensions = array<i32: 1>} : vector<128x48xi32>
    %eq3A_517 = vector.broadcast %get3A_515 : vector<128x1xi32> to vector<128x48xi32>
    %eq3A_518 = arith.cmpi eq, %eq3A_517, %iota3A_516 : vector<128x48xi32>
    %convert_element_type3A_519 = arith.extui %eq3A_518 : vector<128x48xi1> to vector<128x48xi32>
    %convert_element_type3A_520 = arith.sitofp %convert_element_type3A_519 : vector<128x48xi32> to vector<128x48xf32>
    %dot_general3A_521 = arith.constant dense<0.000000e+00> : vector<128x128xf32>
    %dot_general3A_522 = tpu.matmul %convert_element_type3A_520, %get3A_3, %dot_general3A_521 {dimension_numbers = #tpu.dot_dimension_numbers<[1], [0], [0], [1], [0, 0, 1, 1], [], []>, transpose_lhs_hint = false} : vector<128x48xf32>, vector<48x128xf32>, vector<128x128xf32> -> vector<128x128xf32>
    %swap3A_523 = arith.constant 0 : index
    %swap3A_524 = arith.constant 32 : index
    %swap3A_525 = arith.constant 0 : index
    %swap3A_526 = vector.load %arg6[%swap3A_523, %swap3A_524, %swap3A_525] : memref<128x50x128xf32, #tpu.memory_space<vmem>>, vector<128x1x128xf32>
    %swap3A_527 = vector.shape_cast %swap3A_526 : vector<128x1x128xf32> to vector<128x128xf32>
    %swap3A_528 = vector.shape_cast %dot_general3A_522 : vector<128x128xf32> to vector<128x1x128xf32>
    tpu.vector_store %arg6[%swap3A_523, %swap3A_524, %swap3A_525], %swap3A_528 {strides = array<i32>} : memref<128x50x128xf32, #tpu.memory_space<vmem>>, vector<128x1x128xf32>,
    %get3A_529 = arith.constant 0 : index
    %get3A_530 = arith.constant 33 : index
    %get3A_531 = vector.load %arg1[%get3A_529, %get3A_530] : memref<128x50xi32, #tpu.memory_space<vmem>>, vector<128x1xi32>
    %iota3A_532 = tpu.iota {dimensions = array<i32: 1>} : vector<128x48xi32>
    %eq3A_533 = vector.broadcast %get3A_531 : vector<128x1xi32> to vector<128x48xi32>
    %eq3A_534 = arith.cmpi eq, %eq3A_533, %iota3A_532 : vector<128x48xi32>
    %convert_element_type3A_535 = arith.extui %eq3A_534 : vector<128x48xi1> to vector<128x48xi32>
    %convert_element_type3A_536 = arith.sitofp %convert_element_type3A_535 : vector<128x48xi32> to vector<128x48xf32>
    %dot_general3A_537 = arith.constant dense<0.000000e+00> : vector<128x128xf32>
    %dot_general3A_538 = tpu.matmul %convert_element_type3A_536, %get3A_3, %dot_general3A_537 {dimension_numbers = #tpu.dot_dimension_numbers<[1], [0], [0], [1], [0, 0, 1, 1], [], []>, transpose_lhs_hint = false} : vector<128x48xf32>, vector<48x128xf32>, vector<128x128xf32> -> vector<128x128xf32>
    %swap3A_539 = arith.constant 0 : index
    %swap3A_540 = arith.constant 33 : index
    %swap3A_541 = arith.constant 0 : index
    %swap3A_542 = vector.load %arg6[%swap3A_539, %swap3A_540, %swap3A_541] : memref<128x50x128xf32, #tpu.memory_space<vmem>>, vector<128x1x128xf32>
    %swap3A_543 = vector.shape_cast %swap3A_542 : vector<128x1x128xf32> to vector<128x128xf32>
    %swap3A_544 = vector.shape_cast %dot_general3A_538 : vector<128x128xf32> to vector<128x1x128xf32>
    tpu.vector_store %arg6[%swap3A_539, %swap3A_540, %swap3A_541], %swap3A_544 {strides = array<i32>} : memref<128x50x128xf32, #tpu.memory_space<vmem>>, vector<128x1x128xf32>,
    %get3A_545 = arith.constant 0 : index
    %get3A_546 = arith.constant 34 : index
    %get3A_547 = vector.load %arg1[%get3A_545, %get3A_546] : memref<128x50xi32, #tpu.memory_space<vmem>>, vector<128x1xi32>
    %iota3A_548 = tpu.iota {dimensions = array<i32: 1>} : vector<128x48xi32>
    %eq3A_549 = vector.broadcast %get3A_547 : vector<128x1xi32> to vector<128x48xi32>
    %eq3A_550 = arith.cmpi eq, %eq3A_549, %iota3A_548 : vector<128x48xi32>
    %convert_element_type3A_551 = arith.extui %eq3A_550 : vector<128x48xi1> to vector<128x48xi32>
    %convert_element_type3A_552 = arith.sitofp %convert_element_type3A_551 : vector<128x48xi32> to vector<128x48xf32>
    %dot_general3A_553 = arith.constant dense<0.000000e+00> : vector<128x128xf32>
    %dot_general3A_554 = tpu.matmul %convert_element_type3A_552, %get3A_3, %dot_general3A_553 {dimension_numbers = #tpu.dot_dimension_numbers<[1], [0], [0], [1], [0, 0, 1, 1], [], []>, transpose_lhs_hint = false} : vector<128x48xf32>, vector<48x128xf32>, vector<128x128xf32> -> vector<128x128xf32>
    %swap3A_555 = arith.constant 0 : index
    %swap3A_556 = arith.constant 34 : index
    %swap3A_557 = arith.constant 0 : index
    %swap3A_558 = vector.load %arg6[%swap3A_555, %swap3A_556, %swap3A_557] : memref<128x50x128xf32, #tpu.memory_space<vmem>>, vector<128x1x128xf32>
    %swap3A_559 = vector.shape_cast %swap3A_558 : vector<128x1x128xf32> to vector<128x128xf32>
    %swap3A_560 = vector.shape_cast %dot_general3A_554 : vector<128x128xf32> to vector<128x1x128xf32>
    tpu.vector_store %arg6[%swap3A_555, %swap3A_556, %swap3A_557], %swap3A_560 {strides = array<i32>} : memref<128x50x128xf32, #tpu.memory_space<vmem>>, vector<128x1x128xf32>,
    %get3A_561 = arith.constant 0 : index
    %get3A_562 = arith.constant 35 : index
    %get3A_563 = vector.load %arg1[%get3A_561, %get3A_562] : memref<128x50xi32, #tpu.memory_space<vmem>>, vector<128x1xi32>
    %iota3A_564 = tpu.iota {dimensions = array<i32: 1>} : vector<128x48xi32>
    %eq3A_565 = vector.broadcast %get3A_563 : vector<128x1xi32> to vector<128x48xi32>
    %eq3A_566 = arith.cmpi eq, %eq3A_565, %iota3A_564 : vector<128x48xi32>
    %convert_element_type3A_567 = arith.extui %eq3A_566 : vector<128x48xi1> to vector<128x48xi32>
    %convert_element_type3A_568 = arith.sitofp %convert_element_type3A_567 : vector<128x48xi32> to vector<128x48xf32>
    %dot_general3A_569 = arith.constant dense<0.000000e+00> : vector<128x128xf32>
    %dot_general3A_570 = tpu.matmul %convert_element_type3A_568, %get3A_3, %dot_general3A_569 {dimension_numbers = #tpu.dot_dimension_numbers<[1], [0], [0], [1], [0, 0, 1, 1], [], []>, transpose_lhs_hint = false} : vector<128x48xf32>, vector<48x128xf32>, vector<128x128xf32> -> vector<128x128xf32>
    %swap3A_571 = arith.constant 0 : index
    %swap3A_572 = arith.constant 35 : index
    %swap3A_573 = arith.constant 0 : index
    %swap3A_574 = vector.load %arg6[%swap3A_571, %swap3A_572, %swap3A_573] : memref<128x50x128xf32, #tpu.memory_space<vmem>>, vector<128x1x128xf32>
    %swap3A_575 = vector.shape_cast %swap3A_574 : vector<128x1x128xf32> to vector<128x128xf32>
    %swap3A_576 = vector.shape_cast %dot_general3A_570 : vector<128x128xf32> to vector<128x1x128xf32>
    tpu.vector_store %arg6[%swap3A_571, %swap3A_572, %swap3A_573], %swap3A_576 {strides = array<i32>} : memref<128x50x128xf32, #tpu.memory_space<vmem>>, vector<128x1x128xf32>,
    %get3A_577 = arith.constant 0 : index
    %get3A_578 = arith.constant 36 : index
    %get3A_579 = vector.load %arg1[%get3A_577, %get3A_578] : memref<128x50xi32, #tpu.memory_space<vmem>>, vector<128x1xi32>
    %iota3A_580 = tpu.iota {dimensions = array<i32: 1>} : vector<128x48xi32>
    %eq3A_581 = vector.broadcast %get3A_579 : vector<128x1xi32> to vector<128x48xi32>
    %eq3A_582 = arith.cmpi eq, %eq3A_581, %iota3A_580 : vector<128x48xi32>
    %convert_element_type3A_583 = arith.extui %eq3A_582 : vector<128x48xi1> to vector<128x48xi32>
    %convert_element_type3A_584 = arith.sitofp %convert_element_type3A_583 : vector<128x48xi32> to vector<128x48xf32>
    %dot_general3A_585 = arith.constant dense<0.000000e+00> : vector<128x128xf32>
    %dot_general3A_586 = tpu.matmul %convert_element_type3A_584, %get3A_3, %dot_general3A_585 {dimension_numbers = #tpu.dot_dimension_numbers<[1], [0], [0], [1], [0, 0, 1, 1], [], []>, transpose_lhs_hint = false} : vector<128x48xf32>, vector<48x128xf32>, vector<128x128xf32> -> vector<128x128xf32>
    %swap3A_587 = arith.constant 0 : index
    %swap3A_588 = arith.constant 36 : index
    %swap3A_589 = arith.constant 0 : index
    %swap3A_590 = vector.load %arg6[%swap3A_587, %swap3A_588, %swap3A_589] : memref<128x50x128xf32, #tpu.memory_space<vmem>>, vector<128x1x128xf32>
    %swap3A_591 = vector.shape_cast %swap3A_590 : vector<128x1x128xf32> to vector<128x128xf32>
    %swap3A_592 = vector.shape_cast %dot_general3A_586 : vector<128x128xf32> to vector<128x1x128xf32>
    tpu.vector_store %arg6[%swap3A_587, %swap3A_588, %swap3A_589], %swap3A_592 {strides = array<i32>} : memref<128x50x128xf32, #tpu.memory_space<vmem>>, vector<128x1x128xf32>,
    %get3A_593 = arith.constant 0 : index
    %get3A_594 = arith.constant 37 : index
    %get3A_595 = vector.load %arg1[%get3A_593, %get3A_594] : memref<128x50xi32, #tpu.memory_space<vmem>>, vector<128x1xi32>
    %iota3A_596 = tpu.iota {dimensions = array<i32: 1>} : vector<128x48xi32>
    %eq3A_597 = vector.broadcast %get3A_595 : vector<128x1xi32> to vector<128x48xi32>
    %eq3A_598 = arith.cmpi eq, %eq3A_597, %iota3A_596 : vector<128x48xi32>
    %convert_element_type3A_599 = arith.extui %eq3A_598 : vector<128x48xi1> to vector<128x48xi32>
    %convert_element_type3A_600 = arith.sitofp %convert_element_type3A_599 : vector<128x48xi32> to vector<128x48xf32>
    %dot_general3A_601 = arith.constant dense<0.000000e+00> : vector<128x128xf32>
    %dot_general3A_602 = tpu.matmul %convert_element_type3A_600, %get3A_3, %dot_general3A_601 {dimension_numbers = #tpu.dot_dimension_numbers<[1], [0], [0], [1], [0, 0, 1, 1], [], []>, transpose_lhs_hint = false} : vector<128x48xf32>, vector<48x128xf32>, vector<128x128xf32> -> vector<128x128xf32>
    %swap3A_603 = arith.constant 0 : index
    %swap3A_604 = arith.constant 37 : index
    %swap3A_605 = arith.constant 0 : index
    %swap3A_606 = vector.load %arg6[%swap3A_603, %swap3A_604, %swap3A_605] : memref<128x50x128xf32, #tpu.memory_space<vmem>>, vector<128x1x128xf32>
    %swap3A_607 = vector.shape_cast %swap3A_606 : vector<128x1x128xf32> to vector<128x128xf32>
    %swap3A_608 = vector.shape_cast %dot_general3A_602 : vector<128x128xf32> to vector<128x1x128xf32>
    tpu.vector_store %arg6[%swap3A_603, %swap3A_604, %swap3A_605], %swap3A_608 {strides = array<i32>} : memref<128x50x128xf32, #tpu.memory_space<vmem>>, vector<128x1x128xf32>,
    %get3A_609 = arith.constant 0 : index
    %get3A_610 = arith.constant 38 : index
    %get3A_611 = vector.load %arg1[%get3A_609, %get3A_610] : memref<128x50xi32, #tpu.memory_space<vmem>>, vector<128x1xi32>
    %iota3A_612 = tpu.iota {dimensions = array<i32: 1>} : vector<128x48xi32>
    %eq3A_613 = vector.broadcast %get3A_611 : vector<128x1xi32> to vector<128x48xi32>
    %eq3A_614 = arith.cmpi eq, %eq3A_613, %iota3A_612 : vector<128x48xi32>
    %convert_element_type3A_615 = arith.extui %eq3A_614 : vector<128x48xi1> to vector<128x48xi32>
    %convert_element_type3A_616 = arith.sitofp %convert_element_type3A_615 : vector<128x48xi32> to vector<128x48xf32>
    %dot_general3A_617 = arith.constant dense<0.000000e+00> : vector<128x128xf32>
    %dot_general3A_618 = tpu.matmul %convert_element_type3A_616, %get3A_3, %dot_general3A_617 {dimension_numbers = #tpu.dot_dimension_numbers<[1], [0], [0], [1], [0, 0, 1, 1], [], []>, transpose_lhs_hint = false} : vector<128x48xf32>, vector<48x128xf32>, vector<128x128xf32> -> vector<128x128xf32>
    %swap3A_619 = arith.constant 0 : index
    %swap3A_620 = arith.constant 38 : index
    %swap3A_621 = arith.constant 0 : index
    %swap3A_622 = vector.load %arg6[%swap3A_619, %swap3A_620, %swap3A_621] : memref<128x50x128xf32, #tpu.memory_space<vmem>>, vector<128x1x128xf32>
    %swap3A_623 = vector.shape_cast %swap3A_622 : vector<128x1x128xf32> to vector<128x128xf32>
    %swap3A_624 = vector.shape_cast %dot_general3A_618 : vector<128x128xf32> to vector<128x1x128xf32>
    tpu.vector_store %arg6[%swap3A_619, %swap3A_620, %swap3A_621], %swap3A_624 {strides = array<i32>} : memref<128x50x128xf32, #tpu.memory_space<vmem>>, vector<128x1x128xf32>,
    %get3A_625 = arith.constant 0 : index
    %get3A_626 = arith.constant 39 : index
    %get3A_627 = vector.load %arg1[%get3A_625, %get3A_626] : memref<128x50xi32, #tpu.memory_space<vmem>>, vector<128x1xi32>
    %iota3A_628 = tpu.iota {dimensions = array<i32: 1>} : vector<128x48xi32>
    %eq3A_629 = vector.broadcast %get3A_627 : vector<128x1xi32> to vector<128x48xi32>
    %eq3A_630 = arith.cmpi eq, %eq3A_629, %iota3A_628 : vector<128x48xi32>
    %convert_element_type3A_631 = arith.extui %eq3A_630 : vector<128x48xi1> to vector<128x48xi32>
    %convert_element_type3A_632 = arith.sitofp %convert_element_type3A_631 : vector<128x48xi32> to vector<128x48xf32>
    %dot_general3A_633 = arith.constant dense<0.000000e+00> : vector<128x128xf32>
    %dot_general3A_634 = tpu.matmul %convert_element_type3A_632, %get3A_3, %dot_general3A_633 {dimension_numbers = #tpu.dot_dimension_numbers<[1], [0], [0], [1], [0, 0, 1, 1], [], []>, transpose_lhs_hint = false} : vector<128x48xf32>, vector<48x128xf32>, vector<128x128xf32> -> vector<128x128xf32>
    %swap3A_635 = arith.constant 0 : index
    %swap3A_636 = arith.constant 39 : index
    %swap3A_637 = arith.constant 0 : index
    %swap3A_638 = vector.load %arg6[%swap3A_635, %swap3A_636, %swap3A_637] : memref<128x50x128xf32, #tpu.memory_space<vmem>>, vector<128x1x128xf32>
    %swap3A_639 = vector.shape_cast %swap3A_638 : vector<128x1x128xf32> to vector<128x128xf32>
    %swap3A_640 = vector.shape_cast %dot_general3A_634 : vector<128x128xf32> to vector<128x1x128xf32>
    tpu.vector_store %arg6[%swap3A_635, %swap3A_636, %swap3A_637], %swap3A_640 {strides = array<i32>} : memref<128x50x128xf32, #tpu.memory_space<vmem>>, vector<128x1x128xf32>,
    %get3A_641 = arith.constant 0 : index
    %get3A_642 = arith.constant 40 : index
    %get3A_643 = vector.load %arg1[%get3A_641, %get3A_642] : memref<128x50xi32, #tpu.memory_space<vmem>>, vector<128x1xi32>
    %iota3A_644 = tpu.iota {dimensions = array<i32: 1>} : vector<128x48xi32>
    %eq3A_645 = vector.broadcast %get3A_643 : vector<128x1xi32> to vector<128x48xi32>
    %eq3A_646 = arith.cmpi eq, %eq3A_645, %iota3A_644 : vector<128x48xi32>
    %convert_element_type3A_647 = arith.extui %eq3A_646 : vector<128x48xi1> to vector<128x48xi32>
    %convert_element_type3A_648 = arith.sitofp %convert_element_type3A_647 : vector<128x48xi32> to vector<128x48xf32>
    %dot_general3A_649 = arith.constant dense<0.000000e+00> : vector<128x128xf32>
    %dot_general3A_650 = tpu.matmul %convert_element_type3A_648, %get3A_3, %dot_general3A_649 {dimension_numbers = #tpu.dot_dimension_numbers<[1], [0], [0], [1], [0, 0, 1, 1], [], []>, transpose_lhs_hint = false} : vector<128x48xf32>, vector<48x128xf32>, vector<128x128xf32> -> vector<128x128xf32>
    %swap3A_651 = arith.constant 0 : index
    %swap3A_652 = arith.constant 40 : index
    %swap3A_653 = arith.constant 0 : index
    %swap3A_654 = vector.load %arg6[%swap3A_651, %swap3A_652, %swap3A_653] : memref<128x50x128xf32, #tpu.memory_space<vmem>>, vector<128x1x128xf32>
    %swap3A_655 = vector.shape_cast %swap3A_654 : vector<128x1x128xf32> to vector<128x128xf32>
    %swap3A_656 = vector.shape_cast %dot_general3A_650 : vector<128x128xf32> to vector<128x1x128xf32>
    tpu.vector_store %arg6[%swap3A_651, %swap3A_652, %swap3A_653], %swap3A_656 {strides = array<i32>} : memref<128x50x128xf32, #tpu.memory_space<vmem>>, vector<128x1x128xf32>,
    %get3A_657 = arith.constant 0 : index
    %get3A_658 = arith.constant 41 : index
    %get3A_659 = vector.load %arg1[%get3A_657, %get3A_658] : memref<128x50xi32, #tpu.memory_space<vmem>>, vector<128x1xi32>
    %iota3A_660 = tpu.iota {dimensions = array<i32: 1>} : vector<128x48xi32>
    %eq3A_661 = vector.broadcast %get3A_659 : vector<128x1xi32> to vector<128x48xi32>
    %eq3A_662 = arith.cmpi eq, %eq3A_661, %iota3A_660 : vector<128x48xi32>
    %convert_element_type3A_663 = arith.extui %eq3A_662 : vector<128x48xi1> to vector<128x48xi32>
    %convert_element_type3A_664 = arith.sitofp %convert_element_type3A_663 : vector<128x48xi32> to vector<128x48xf32>
    %dot_general3A_665 = arith.constant dense<0.000000e+00> : vector<128x128xf32>
    %dot_general3A_666 = tpu.matmul %convert_element_type3A_664, %get3A_3, %dot_general3A_665 {dimension_numbers = #tpu.dot_dimension_numbers<[1], [0], [0], [1], [0, 0, 1, 1], [], []>, transpose_lhs_hint = false} : vector<128x48xf32>, vector<48x128xf32>, vector<128x128xf32> -> vector<128x128xf32>
    %swap3A_667 = arith.constant 0 : index
    %swap3A_668 = arith.constant 41 : index
    %swap3A_669 = arith.constant 0 : index
    %swap3A_670 = vector.load %arg6[%swap3A_667, %swap3A_668, %swap3A_669] : memref<128x50x128xf32, #tpu.memory_space<vmem>>, vector<128x1x128xf32>
    %swap3A_671 = vector.shape_cast %swap3A_670 : vector<128x1x128xf32> to vector<128x128xf32>
    %swap3A_672 = vector.shape_cast %dot_general3A_666 : vector<128x128xf32> to vector<128x1x128xf32>
    tpu.vector_store %arg6[%swap3A_667, %swap3A_668, %swap3A_669], %swap3A_672 {strides = array<i32>} : memref<128x50x128xf32, #tpu.memory_space<vmem>>, vector<128x1x128xf32>,
    %get3A_673 = arith.constant 0 : index
    %get3A_674 = arith.constant 42 : index
    %get3A_675 = vector.load %arg1[%get3A_673, %get3A_674] : memref<128x50xi32, #tpu.memory_space<vmem>>, vector<128x1xi32>
    %iota3A_676 = tpu.iota {dimensions = array<i32: 1>} : vector<128x48xi32>
    %eq3A_677 = vector.broadcast %get3A_675 : vector<128x1xi32> to vector<128x48xi32>
    %eq3A_678 = arith.cmpi eq, %eq3A_677, %iota3A_676 : vector<128x48xi32>
    %convert_element_type3A_679 = arith.extui %eq3A_678 : vector<128x48xi1> to vector<128x48xi32>
    %convert_element_type3A_680 = arith.sitofp %convert_element_type3A_679 : vector<128x48xi32> to vector<128x48xf32>
    %dot_general3A_681 = arith.constant dense<0.000000e+00> : vector<128x128xf32>
    %dot_general3A_682 = tpu.matmul %convert_element_type3A_680, %get3A_3, %dot_general3A_681 {dimension_numbers = #tpu.dot_dimension_numbers<[1], [0], [0], [1], [0, 0, 1, 1], [], []>, transpose_lhs_hint = false} : vector<128x48xf32>, vector<48x128xf32>, vector<128x128xf32> -> vector<128x128xf32>
    %swap3A_683 = arith.constant 0 : index
    %swap3A_684 = arith.constant 42 : index
    %swap3A_685 = arith.constant 0 : index
    %swap3A_686 = vector.load %arg6[%swap3A_683, %swap3A_684, %swap3A_685] : memref<128x50x128xf32, #tpu.memory_space<vmem>>, vector<128x1x128xf32>
    %swap3A_687 = vector.shape_cast %swap3A_686 : vector<128x1x128xf32> to vector<128x128xf32>
    %swap3A_688 = vector.shape_cast %dot_general3A_682 : vector<128x128xf32> to vector<128x1x128xf32>
    tpu.vector_store %arg6[%swap3A_683, %swap3A_684, %swap3A_685], %swap3A_688 {strides = array<i32>} : memref<128x50x128xf32, #tpu.memory_space<vmem>>, vector<128x1x128xf32>,
    %get3A_689 = arith.constant 0 : index
    %get3A_690 = arith.constant 43 : index
    %get3A_691 = vector.load %arg1[%get3A_689, %get3A_690] : memref<128x50xi32, #tpu.memory_space<vmem>>, vector<128x1xi32>
    %iota3A_692 = tpu.iota {dimensions = array<i32: 1>} : vector<128x48xi32>
    %eq3A_693 = vector.broadcast %get3A_691 : vector<128x1xi32> to vector<128x48xi32>
    %eq3A_694 = arith.cmpi eq, %eq3A_693, %iota3A_692 : vector<128x48xi32>
    %convert_element_type3A_695 = arith.extui %eq3A_694 : vector<128x48xi1> to vector<128x48xi32>
    %convert_element_type3A_696 = arith.sitofp %convert_element_type3A_695 : vector<128x48xi32> to vector<128x48xf32>
    %dot_general3A_697 = arith.constant dense<0.000000e+00> : vector<128x128xf32>
    %dot_general3A_698 = tpu.matmul %convert_element_type3A_696, %get3A_3, %dot_general3A_697 {dimension_numbers = #tpu.dot_dimension_numbers<[1], [0], [0], [1], [0, 0, 1, 1], [], []>, transpose_lhs_hint = false} : vector<128x48xf32>, vector<48x128xf32>, vector<128x128xf32> -> vector<128x128xf32>
    %swap3A_699 = arith.constant 0 : index
    %swap3A_700 = arith.constant 43 : index
    %swap3A_701 = arith.constant 0 : index
    %swap3A_702 = vector.load %arg6[%swap3A_699, %swap3A_700, %swap3A_701] : memref<128x50x128xf32, #tpu.memory_space<vmem>>, vector<128x1x128xf32>
    %swap3A_703 = vector.shape_cast %swap3A_702 : vector<128x1x128xf32> to vector<128x128xf32>
    %swap3A_704 = vector.shape_cast %dot_general3A_698 : vector<128x128xf32> to vector<128x1x128xf32>
    tpu.vector_store %arg6[%swap3A_699, %swap3A_700, %swap3A_701], %swap3A_704 {strides = array<i32>} : memref<128x50x128xf32, #tpu.memory_space<vmem>>, vector<128x1x128xf32>,
    %get3A_705 = arith.constant 0 : index
    %get3A_706 = arith.constant 44 : index
    %get3A_707 = vector.load %arg1[%get3A_705, %get3A_706] : memref<128x50xi32, #tpu.memory_space<vmem>>, vector<128x1xi32>
    %iota3A_708 = tpu.iota {dimensions = array<i32: 1>} : vector<128x48xi32>
    %eq3A_709 = vector.broadcast %get3A_707 : vector<128x1xi32> to vector<128x48xi32>
    %eq3A_710 = arith.cmpi eq, %eq3A_709, %iota3A_708 : vector<128x48xi32>
    %convert_element_type3A_711 = arith.extui %eq3A_710 : vector<128x48xi1> to vector<128x48xi32>
    %convert_element_type3A_712 = arith.sitofp %convert_element_type3A_711 : vector<128x48xi32> to vector<128x48xf32>
    %dot_general3A_713 = arith.constant dense<0.000000e+00> : vector<128x128xf32>
    %dot_general3A_714 = tpu.matmul %convert_element_type3A_712, %get3A_3, %dot_general3A_713 {dimension_numbers = #tpu.dot_dimension_numbers<[1], [0], [0], [1], [0, 0, 1, 1], [], []>, transpose_lhs_hint = false} : vector<128x48xf32>, vector<48x128xf32>, vector<128x128xf32> -> vector<128x128xf32>
    %swap3A_715 = arith.constant 0 : index
    %swap3A_716 = arith.constant 44 : index
    %swap3A_717 = arith.constant 0 : index
    %swap3A_718 = vector.load %arg6[%swap3A_715, %swap3A_716, %swap3A_717] : memref<128x50x128xf32, #tpu.memory_space<vmem>>, vector<128x1x128xf32>
    %swap3A_719 = vector.shape_cast %swap3A_718 : vector<128x1x128xf32> to vector<128x128xf32>
    %swap3A_720 = vector.shape_cast %dot_general3A_714 : vector<128x128xf32> to vector<128x1x128xf32>
    tpu.vector_store %arg6[%swap3A_715, %swap3A_716, %swap3A_717], %swap3A_720 {strides = array<i32>} : memref<128x50x128xf32, #tpu.memory_space<vmem>>, vector<128x1x128xf32>,
    %get3A_721 = arith.constant 0 : index
    %get3A_722 = arith.constant 45 : index
    %get3A_723 = vector.load %arg1[%get3A_721, %get3A_722] : memref<128x50xi32, #tpu.memory_space<vmem>>, vector<128x1xi32>
    %iota3A_724 = tpu.iota {dimensions = array<i32: 1>} : vector<128x48xi32>
    %eq3A_725 = vector.broadcast %get3A_723 : vector<128x1xi32> to vector<128x48xi32>
    %eq3A_726 = arith.cmpi eq, %eq3A_725, %iota3A_724 : vector<128x48xi32>
    %convert_element_type3A_727 = arith.extui %eq3A_726 : vector<128x48xi1> to vector<128x48xi32>
    %convert_element_type3A_728 = arith.sitofp %convert_element_type3A_727 : vector<128x48xi32> to vector<128x48xf32>
    %dot_general3A_729 = arith.constant dense<0.000000e+00> : vector<128x128xf32>
    %dot_general3A_730 = tpu.matmul %convert_element_type3A_728, %get3A_3, %dot_general3A_729 {dimension_numbers = #tpu.dot_dimension_numbers<[1], [0], [0], [1], [0, 0, 1, 1], [], []>, transpose_lhs_hint = false} : vector<128x48xf32>, vector<48x128xf32>, vector<128x128xf32> -> vector<128x128xf32>
    %swap3A_731 = arith.constant 0 : index
    %swap3A_732 = arith.constant 45 : index
    %swap3A_733 = arith.constant 0 : index
    %swap3A_734 = vector.load %arg6[%swap3A_731, %swap3A_732, %swap3A_733] : memref<128x50x128xf32, #tpu.memory_space<vmem>>, vector<128x1x128xf32>
    %swap3A_735 = vector.shape_cast %swap3A_734 : vector<128x1x128xf32> to vector<128x128xf32>
    %swap3A_736 = vector.shape_cast %dot_general3A_730 : vector<128x128xf32> to vector<128x1x128xf32>
    tpu.vector_store %arg6[%swap3A_731, %swap3A_732, %swap3A_733], %swap3A_736 {strides = array<i32>} : memref<128x50x128xf32, #tpu.memory_space<vmem>>, vector<128x1x128xf32>,
    %get3A_737 = arith.constant 0 : index
    %get3A_738 = arith.constant 46 : index
    %get3A_739 = vector.load %arg1[%get3A_737, %get3A_738] : memref<128x50xi32, #tpu.memory_space<vmem>>, vector<128x1xi32>
    %iota3A_740 = tpu.iota {dimensions = array<i32: 1>} : vector<128x48xi32>
    %eq3A_741 = vector.broadcast %get3A_739 : vector<128x1xi32> to vector<128x48xi32>
    %eq3A_742 = arith.cmpi eq, %eq3A_741, %iota3A_740 : vector<128x48xi32>
    %convert_element_type3A_743 = arith.extui %eq3A_742 : vector<128x48xi1> to vector<128x48xi32>
    %convert_element_type3A_744 = arith.sitofp %convert_element_type3A_743 : vector<128x48xi32> to vector<128x48xf32>
    %dot_general3A_745 = arith.constant dense<0.000000e+00> : vector<128x128xf32>
    %dot_general3A_746 = tpu.matmul %convert_element_type3A_744, %get3A_3, %dot_general3A_745 {dimension_numbers = #tpu.dot_dimension_numbers<[1], [0], [0], [1], [0, 0, 1, 1], [], []>, transpose_lhs_hint = false} : vector<128x48xf32>, vector<48x128xf32>, vector<128x128xf32> -> vector<128x128xf32>
    %swap3A_747 = arith.constant 0 : index
    %swap3A_748 = arith.constant 46 : index
    %swap3A_749 = arith.constant 0 : index
    %swap3A_750 = vector.load %arg6[%swap3A_747, %swap3A_748, %swap3A_749] : memref<128x50x128xf32, #tpu.memory_space<vmem>>, vector<128x1x128xf32>
    %swap3A_751 = vector.shape_cast %swap3A_750 : vector<128x1x128xf32> to vector<128x128xf32>
    %swap3A_752 = vector.shape_cast %dot_general3A_746 : vector<128x128xf32> to vector<128x1x128xf32>
    tpu.vector_store %arg6[%swap3A_747, %swap3A_748, %swap3A_749], %swap3A_752 {strides = array<i32>} : memref<128x50x128xf32, #tpu.memory_space<vmem>>, vector<128x1x128xf32>,
    %get3A_753 = arith.constant 0 : index
    %get3A_754 = arith.constant 47 : index
    %get3A_755 = vector.load %arg1[%get3A_753, %get3A_754] : memref<128x50xi32, #tpu.memory_space<vmem>>, vector<128x1xi32>
    %iota3A_756 = tpu.iota {dimensions = array<i32: 1>} : vector<128x48xi32>
    %eq3A_757 = vector.broadcast %get3A_755 : vector<128x1xi32> to vector<128x48xi32>
    %eq3A_758 = arith.cmpi eq, %eq3A_757, %iota3A_756 : vector<128x48xi32>
    %convert_element_type3A_759 = arith.extui %eq3A_758 : vector<128x48xi1> to vector<128x48xi32>
    %convert_element_type3A_760 = arith.sitofp %convert_element_type3A_759 : vector<128x48xi32> to vector<128x48xf32>
    %dot_general3A_761 = arith.constant dense<0.000000e+00> : vector<128x128xf32>
    %dot_general3A_762 = tpu.matmul %convert_element_type3A_760, %get3A_3, %dot_general3A_761 {dimension_numbers = #tpu.dot_dimension_numbers<[1], [0], [0], [1], [0, 0, 1, 1], [], []>, transpose_lhs_hint = false} : vector<128x48xf32>, vector<48x128xf32>, vector<128x128xf32> -> vector<128x128xf32>
    %swap3A_763 = arith.constant 0 : index
    %swap3A_764 = arith.constant 47 : index
    %swap3A_765 = arith.constant 0 : index
    %swap3A_766 = vector.load %arg6[%swap3A_763, %swap3A_764, %swap3A_765] : memref<128x50x128xf32, #tpu.memory_space<vmem>>, vector<128x1x128xf32>
    %swap3A_767 = vector.shape_cast %swap3A_766 : vector<128x1x128xf32> to vector<128x128xf32>
    %swap3A_768 = vector.shape_cast %dot_general3A_762 : vector<128x128xf32> to vector<128x1x128xf32>
    tpu.vector_store %arg6[%swap3A_763, %swap3A_764, %swap3A_765], %swap3A_768 {strides = array<i32>} : memref<128x50x128xf32, #tpu.memory_space<vmem>>, vector<128x1x128xf32>,
    %get3A_769 = arith.constant 0 : index
    %get3A_770 = arith.constant 48 : index
    %get3A_771 = vector.load %arg1[%get3A_769, %get3A_770] : memref<128x50xi32, #tpu.memory_space<vmem>>, vector<128x1xi32>
    %iota3A_772 = tpu.iota {dimensions = array<i32: 1>} : vector<128x48xi32>
    %eq3A_773 = vector.broadcast %get3A_771 : vector<128x1xi32> to vector<128x48xi32>
    %eq3A_774 = arith.cmpi eq, %eq3A_773, %iota3A_772 : vector<128x48xi32>
    %convert_element_type3A_775 = arith.extui %eq3A_774 : vector<128x48xi1> to vector<128x48xi32>
    %convert_element_type3A_776 = arith.sitofp %convert_element_type3A_775 : vector<128x48xi32> to vector<128x48xf32>
    %dot_general3A_777 = arith.constant dense<0.000000e+00> : vector<128x128xf32>
    %dot_general3A_778 = tpu.matmul %convert_element_type3A_776, %get3A_3, %dot_general3A_777 {dimension_numbers = #tpu.dot_dimension_numbers<[1], [0], [0], [1], [0, 0, 1, 1], [], []>, transpose_lhs_hint = false} : vector<128x48xf32>, vector<48x128xf32>, vector<128x128xf32> -> vector<128x128xf32>
    %swap3A_779 = arith.constant 0 : index
    %swap3A_780 = arith.constant 48 : index
    %swap3A_781 = arith.constant 0 : index
    %swap3A_782 = vector.load %arg6[%swap3A_779, %swap3A_780, %swap3A_781] : memref<128x50x128xf32, #tpu.memory_space<vmem>>, vector<128x1x128xf32>
    %swap3A_783 = vector.shape_cast %swap3A_782 : vector<128x1x128xf32> to vector<128x128xf32>
    %swap3A_784 = vector.shape_cast %dot_general3A_778 : vector<128x128xf32> to vector<128x1x128xf32>
    tpu.vector_store %arg6[%swap3A_779, %swap3A_780, %swap3A_781], %swap3A_784 {strides = array<i32>} : memref<128x50x128xf32, #tpu.memory_space<vmem>>, vector<128x1x128xf32>,
    %get3A_785 = arith.constant 0 : index
    %get3A_786 = arith.constant 49 : index
    %get3A_787 = vector.load %arg1[%get3A_785, %get3A_786] : memref<128x50xi32, #tpu.memory_space<vmem>>, vector<128x1xi32>
    %iota3A_788 = tpu.iota {dimensions = array<i32: 1>} : vector<128x48xi32>
    %eq3A_789 = vector.broadcast %get3A_787 : vector<128x1xi32> to vector<128x48xi32>
    %eq3A_790 = arith.cmpi eq, %eq3A_789, %iota3A_788 : vector<128x48xi32>
    %convert_element_type3A_791 = arith.extui %eq3A_790 : vector<128x48xi1> to vector<128x48xi32>
    %convert_element_type3A_792 = arith.sitofp %convert_element_type3A_791 : vector<128x48xi32> to vector<128x48xf32>
    %dot_general3A_793 = arith.constant dense<0.000000e+00> : vector<128x128xf32>
    %dot_general3A_794 = tpu.matmul %convert_element_type3A_792, %get3A_3, %dot_general3A_793 {dimension_numbers = #tpu.dot_dimension_numbers<[1], [0], [0], [1], [0, 0, 1, 1], [], []>, transpose_lhs_hint = false} : vector<128x48xf32>, vector<48x128xf32>, vector<128x128xf32> -> vector<128x128xf32>
    %swap3A_795 = arith.constant 0 : index
    %swap3A_796 = arith.constant 49 : index
    %swap3A_797 = arith.constant 0 : index
    %swap3A_798 = vector.load %arg6[%swap3A_795, %swap3A_796, %swap3A_797] : memref<128x50x128xf32, #tpu.memory_space<vmem>>, vector<128x1x128xf32>
    %swap3A_799 = vector.shape_cast %swap3A_798 : vector<128x1x128xf32> to vector<128x128xf32>
    %swap3A_800 = vector.shape_cast %dot_general3A_794 : vector<128x128xf32> to vector<128x1x128xf32>
    tpu.vector_store %arg6[%swap3A_795, %swap3A_796, %swap3A_797], %swap3A_800 {strides = array<i32>} : memref<128x50x128xf32, #tpu.memory_space<vmem>>, vector<128x1x128xf32>,
    return
  }
  func.func @transform_0(%arg0: i32) -> (i32, i32) {
    %c0_i32 = arith.constant 0 : i32
    %c0_i32_0 = arith.constant 0 : i32
    return %arg0, %c0_i32 : i32, i32
  }
  func.func @transform_1(%arg0: i32) -> (i32, i32, i32) {
    %c0_i32 = arith.constant 0 : i32
    %c0_i32_0 = arith.constant 0 : i32
    %c0_i32_1 = arith.constant 0 : i32
    %c0_i32_2 = arith.constant 0 : i32
    return %c0_i32, %c0_i32_0, %c0_i32_1 : i32, i32, i32
  }
  func.func @transform_2(%arg0: i32) -> (i32, i32) {
    %c0_i32 = arith.constant 0 : i32
    %c0_i32_0 = arith.constant 0 : i32
    %c0_i32_1 = arith.constant 0 : i32
    return %c0_i32, %c0_i32_0 : i32, i32
  }
  func.func @transform_3(%arg0: i32) -> (i32, i32) {
    %c0_i32 = arith.constant 0 : i32
    %c0_i32_0 = arith.constant 0 : i32
    %c0_i32_1 = arith.constant 0 : i32
    return %c0_i32, %c0_i32_0 : i32, i32
  }
  func.func @transform_4(%arg0: i32) -> (i32, i32) {
    %c0_i32 = arith.constant 0 : i32
    %c0_i32_0 = arith.constant 0 : i32
    %c0_i32_1 = arith.constant 0 : i32
    return %c0_i32, %c0_i32_0 : i32, i32
  }
  func.func @transform_5(%arg0: i32) -> (i32, i32, i32) {
    %c0_i32 = arith.constant 0 : i32
    %c0_i32_0 = arith.constant 0 : i32
    %c0_i32_1 = arith.constant 0 : i32
    return %arg0, %c0_i32, %c0_i32_0 : i32, i32, i32
  }
}

</mosaic_0001>

<sc_bundles>
// kernel: kernel.4.cloned.1.call-start
scs
__scs_entry_jumppad:
0x0: {  	(pc) =	sbr.rel $0x88, $3  }
0x1: {  	(tag) =	ssettag $0x0;
	lr =	simm.s32 $0x1  }
0x2: {  	[smem:$0x3F97] =	sst lr;
	_ =	strace $0xD0000000  }
0x3: {  	_ = 	snop  }
0x4: {  	_ = 	snop  }
0x5: {  	_ = 	snop  }
0x6: {  	_ = 	snop  }
0x7: {  	_ = 	snop  }
__scs_overlays_trampoline_lowered:
0x8: {  	[smem:$0x3FA6] =	sst s0  }
0x9: {  	[smem:$0x3FA7] =	sst s1  }
0xa: {  	[smem:$0x3FA8] =	sst s2  }
0xb: {  	[smem:$0x3FA9] =	sst s3  }
0xc: {  	[smem:$0x3FAA] =	sst s4  }
0xd: {  	[smem:$0x3FAB] =	sst s5  }
0xe: {  	[smem:$0x3FAC] =	sst s6  }
0xf: {  	[smem:$0x3FAD] =	sst s7  }
0x10: {  	[smem:$0x3FAE] =	sst s8  }
0x11: {  	[smem:$0x3FAF] =	sst s9;
	s0 =	simm.s32 @!p0 $0x0  }
0x12: {  	s1 =	sld [smem:$0x3F95];
	s0 =	simm.s32 @p0 $0x1  }
0x13: {  	[smem:$0x3FB0] =	sst s0;
	s0 =	simm.s32 @!p1 $0x0  }
0x14: {  	s2 =	sld [smem:$0x3F94];
	s0 =	simm.s32 @p1 $0x1  }
0x15: {  	[smem:$0x3FB1] =	sst s0;
	s0 =	simm.s32 @!p2 $0x0  }
0x16: {  	s3 =	sld [smem:$0x3FDB];
	s0 =	simm.s32 @p2 $0x1  }
0x17: {  	s4 =	simm.s32 $0x1BF5;
	[smem:$0x3FB3] =	sst s0  }
0x18: {  	s0 =	sld [smem:$0x3F96];
	_ =	swait.ge [sflag:s4], $0x0  }
0x19: {  	s7 =	sld [smem:$0x3F97]  }
0x1a: {  	s8 =	sadd.s32 $0xFFFFE003, lr  }
0x1b: {  	s9 =	sadd.s32 $0xFFFFFEF7, lr;
	s5 =	simm.s32 $0xFFFFFFFF;
	p2 =	slt.u32 s8, $0xFFFFF086  }
0x1c: {  	p1 =	slt.u32 s9, $0xF7A;
	s5 =	simm.s32 @!p2 $0x0  }
0x1d: {  	s5 =	simm.s32 @p1 $0x1;
	p0 =	seq.s32 s7, s2  }
0x1e: {  	s7 =	smul.u32 @!p0 $0xF7A, s2;
	p2 =	seq.s32 @!p0 s5, $0x0  }
0x1f: {  	s9 =	smul.u32 $0xF7A, s1;
	s8 =	simm.s32 @!p0 $0x1BF5;
	p2 =	por !p2, p0  }
0x20: {  	[sflag:s8] =	ssyncset.s32 @!p0 $0xFFFFF086;
	s6 =	sadd.s32 @!p0 s3, s7;
	s7 =	simm.s32 @!p0 $0x108  }
0x21: {  	s3 =	sadd.s32 s3, s9;
	s6 =	sadd.s32 @!p0 $0x88, s6;
	s7 =	simm.s32 @p2 $0x1082  }
0x22: {  	[simem:s7], [sflag:s8] =	dma.local @!p0 [hbm:s6], $0xF7A  }
0x23: {  	s9 =	sor.u32 $0xD0000000, s2;
	s6 =	simm.s32 $0x108;
	_ =	swait.ge @!p0 [sflag:s8], $0x0  }
0x24: {  	s3 =	sadd.s32 $0x88, s3;
	s6 =	simm.s32 @!p1 $0x1082;
	[sflag:s4] =	ssyncset.s32 $0xFFFFF086  }
0x25: {  	[simem:s6], [sflag:s4] =	dma.local [hbm:s3], $0xF7A  }
0x26: {  	[smem:$0x3F97] =	sst s1;
	(tag) =	ssettag s2;
	_ =	strace s9  }
0x27: {  	s1 =	sld [smem:$0x3FA7]  }
0x28: {  	s2 =	sld [smem:$0x3FA8]  }
0x29: {  	s4 =	sld [smem:$0x3FAA]  }
0x2a: {  	p0 =	seq.s32 s5, $0x0;
	s5 =	sld [smem:$0x3FAB]  }
0x2b: {  	s6 =	sld [smem:$0x3FAC]  }
0x2c: {  	s7 =	sld [smem:$0x3FAD]  }
0x2d: {  	s3 =	simm.s32 $0x108;
	s8 =	sld [smem:$0x3FAE]  }
0x2e: {  	s3 =	simm.s32 @!p0 $0x1082;
	s9 =	sld [smem:$0x3FAF]  }
0x2f: {  	lr =	sadd.s32 s0, s3;
	s0 =	sld [smem:$0x3FA6]  }
0x30: {  	s3 =	sld [smem:$0x3FA9]  }
0x31: {  	[smem:$0x3FB2] =	sst s10  }
0x32: {  	s10 =	sld [smem:$0x3FB0];
	_ =	sdelay $0x3  }
0x33: {  	p0 =	seq.s32 s10, $0x1;
	s10 =	sld [smem:$0x3FB2];
	_ =	sdelay $0x3  }
0x34: {  	[smem:$0x3FB2] =	sst s10  }
0x35: {  	s10 =	sld [smem:$0x3FB1];
	_ =	sdelay $0x3  }
0x36: {  	p1 =	seq.s32 s10, $0x1;
	s10 =	sld [smem:$0x3FB2];
	_ =	sdelay $0x3  }
0x37: {  	[smem:$0x3FB2] =	sst s10  }
0x38: {  	s10 =	sld [smem:$0x3FB3]  }
0x39: {  	_ = 	snop;
	(pc) =	sbr.ind lr, $3  }
0x3a: {  	_ = 	snop  }
0x3b: {  	_ = 	snop  }
0x3c: {  	p2 =	seq.s32 s10, $0x1;
	s10 =	sld [smem:$0x3FB2]  }
0x3d: {  	_ =	shalt  }
0x3e: {  	_ =	shalt  }
0x3f: {  	_ =	shalt  }
0x40: {  	_ =	shalt  }
0x41: {  	_ =	shalt  }
0x42: {  	_ =	shalt  }
0x43: {  	_ =	shalt  }
0x44: {  	_ =	shalt  }
0x45: {  	_ =	shalt  }
0x46: {  	_ =	shalt  }
0x47: {  	_ =	shalt  }
0x48: {  	_ =	shalt  }
0x49: {  	_ =	shalt  }
0x4a: {  	_ =	shalt  }
0x4b: {  	_ =	shalt  }
0x4c: {  	_ =	shalt  }
0x4d: {  	_ =	shalt  }
0x4e: {  	_ =	shalt  }
0x4f: {  	_ =	shalt  }
0x50: {  	_ =	shalt  }
0x51: {  	_ =	shalt  }
0x52: {  	_ =	shalt  }
0x53: {  	_ =	shalt  }
0x54: {  	_ =	shalt  }
0x55: {  	_ =	shalt  }
0x56: {  	_ =	shalt  }
0x57: {  	_ =	shalt  }
0x58: {  	_ =	shalt  }
0x59: {  	_ =	shalt  }
0x5a: {  	_ =	shalt  }
0x5b: {  	_ =	shalt  }
0x5c: {  	_ =	shalt  }
0x5d: {  	_ =	shalt  }
0x5e: {  	_ =	shalt  }
0x5f: {  	_ =	shalt  }
0x60: {  	_ =	shalt  }
0x61: {  	_ =	shalt  }
0x62: {  	_ =	shalt  }
0x63: {  	_ =	shalt  }
0x64: {  	_ =	shalt  }
0x65: {  	_ =	shalt  }
0x66: {  	_ =	shalt  }
0x67: {  	_ =	shalt  }
0x68: {  	_ =	shalt  }
0x69: {  	_ =	shalt  }
0x6a: {  	_ =	shalt  }
0x6b: {  	_ =	shalt  }
0x6c: {  	_ =	shalt  }
0x6d: {  	_ =	shalt  }
0x6e: {  	_ =	shalt  }
0x6f: {  	_ =	shalt  }
0x70: {  	_ =	shalt  }
0x71: {  	_ =	shalt  }
0x72: {  	_ =	shalt  }
0x73: {  	_ =	shalt  }
0x74: {  	_ =	shalt  }
0x75: {  	_ =	shalt  }
0x76: {  	_ =	shalt  }
0x77: {  	_ =	shalt  }
0x78: {  	_ =	shalt  }
0x79: {  	_ =	shalt  }
0x7a: {  	_ =	shalt  }
0x7b: {  	_ =	shalt  }
0x7c: {  	_ =	shalt  }
0x7d: {  	_ =	shalt  }
0x7e: {  	_ =	shalt  }
0x7f: {  	_ =	shalt  }
0x80: {  	_ =	shalt  }
0x81: {  	_ =	shalt  }
0x82: {  	_ =	shalt  }
0x83: {  	_ =	shalt  }
0x84: {  	_ =	shalt  }
0x85: {  	_ =	shalt  }
0x86: {  	_ =	shalt  }
0x87: {  	_ =	shalt  }
.Lfunc_end0:
.L_simem_size_0:
called_computation_lowered:
.L_overlay_start_0:
0x88: {  	s2 =	sld [smem:$0x3FD9]  }
0x89: {  	s3 =	sld [smem:$0x3FFE];
	_ =	sdelay $0x1  }
0x8a: {  	s1 =	srdreg.scid  }
0x8b: {  	s0 =	sand.u32 $0x1, s1  }
0x8c: {  	s30 =	sshll.u32 s0, $0xA;
	s2 =	sadd.s32 s3, s2  }
0x8d: {  	s2 =	sadd.s32 s2, s30  }
0x8e: {  	s3 =	simm.s32 $0x0;
	[smem:$0x3FBE] =	sst s2  }
0x8f: {  	[smem:$0xF] =	sst s3  }
0x90: {  	s2 =	sld [smem:$0x3FD0];
	(tm) =	ssettm $0x1  }
0x91: {  	s4 =	sld [smem:$0x3FFB];
	_ =	sdelay $0x3  }
0x92: {  	_ =	strace s4  }
0x93: {  	s4 =	sld [smem:$0x3FFC];
	_ =	sdelay $0x3  }
0x94: {  	_ =	strace s4  }
0x95: {  	s4 =	sld [smem:$0x3FFD];
	_ =	sdelay $0x3  }
0x96: {  	_ =	strace s4  }
0x97: {  	s31 =	simm.s32 $0x1B8B;
	_ =	strace $0x8FFFFFFF  }
0x98: {  	p0 =	seq.s32 s0, $0x1;
	_ =	swait.ge [sflag:s31], $0x1  }
.Ltmp0:
0x99: {  	[sflag:s31] =	ssyncset.done $0x0;
	(pc) =	sbr.rel @p0 .LBB1_4-.Ltmp0, $3  }
0x9a: {  	s5 =	simm.s32 $0x1B8E;
	[sflag:s31] =	ssyncadd.s32 $0xFFFFFFFF  }
0x9b: {  	[smem:$0x3FD2] =	sst s5  }
0x9c: {  	s4 =	sld [smem:$0x3FFE];
	_ =	strace $0x80000046  }
0x9d: {  	_ =	sdelay $0x2  }
0x9e: {  	s6 =	simm.s32 $0x9;
	s7 =	simm.s32 $0x10;
	s5 =	sadd.s32 $0x30F400, s4  }
0x9f: {  	[smem:s7], [sflag:s6] =	dma.local [hbm:s5], $0x60  }
0xa0: {  	_ =	swait.ge [sflag:s6], $0x60  }
0xa1: {  	[sflag:s6] =	ssyncset.done $0x0  }
0xa2: {  	[sflag:s6] =	ssyncadd.s32 $0xFFFFFFA0  }
0xa3: {  	s29 =	sld [smem:$0x10];
	_ =	sdelay $0x3  }
0xa4: {  	s30 =	sshll.u32 s29, $0x4  }
0xa5: {  	s5 =	sadd.s32 $0x1C00, s4;
	s31 =	sand.u32 $0x1FFFFFF0, s30  }
0xa6: {  	s6 =	simm.s32 $0xA;
	s7 =	sadd.s32 s5, s31  }
0xa7: {  	[hbm:s2], [sflag:s6] =	dma.local [hbm:s7], $0x10  }
0xa8: {  	s8 =	simm.s32 $0x8;
	s7 =	smov.u32 s2;
	s9 =	sld [smem:$0x11]  }
.LBB1_2:
0xa9: {  	p0 =	sne.s32 s8, $0xBFC;
	_ =	sdelay $0x2  }
0xaa: {  	s9 =	sshll.u32 s9, $0x4  }
.Ltmp1:
0xab: {  	s9 =	sand.u32 $0x1FFFFFF0, s9;
	(pc) =	sbr.rel @p0 .LBB1_2-.Ltmp1, $3  }
0xac: {  	s10 =	sshra.s32 s8, $0x2;
	s7 =	sadd.s32 $0x10, s7;
	s9 =	sadd.s32 s5, s9  }
0xad: {  	[hbm:s7], [sflag:s6] =	dma.local [hbm:s9], $0x10  }
0xae: {  	s8 =	sadd.s32 $0x4, s8;
	s9 =	sld [smem:s10+$0x10]  }
0xaf: {  	_ =	sdelay $0x2  }
0xb0: {  	s8 =	sshll.u32 s9, $0x4  }
0xb1: {  	s8 =	sand.u32 $0x1FFFFFF0, s8  }
0xb2: {  	s7 =	sadd.s32 $0x10, s7;
	p0 =	seq.s32 s0, $0x0;
	s5 =	sadd.s32 s5, s8  }
0xb3: {  	[hbm:s7], [sflag:s6] =	dma.local [hbm:s5], $0x10  }
.Ltmp2:
0xb4: {  	s31 =	simm.s32 $0xA;
	(pc) =	sbr.rel @p0 .LBB1_7-.Ltmp2, $3  }
0xb5: {  	_ =	swait.ge [sflag:s31], $0x3000  }
0xb6: {  	[sflag:s31] =	ssyncset.done $0x0  }
0xb7: {  	[sflag:s31] =	ssyncadd.s32 $0xFFFFD000  }
.LBB1_4:
0xb8: {  	_ =	sdelay $0x2  }
0xb9: {  	s7 =	simm.s32 $0x9;
	s6 =	simm.s32 $0x10;
	s5 =	sadd.s32 $0x30F600, s4  }
0xba: {  	[smem:s6], [sflag:s7] =	dma.local [hbm:s5], $0x60  }
0xbb: {  	_ =	swait.ge [sflag:s7], $0x60  }
0xbc: {  	[sflag:s7] =	ssyncset.done $0x0  }
0xbd: {  	s4 =	sadd.s32 $0x188800, s4;
	[sflag:s7] =	ssyncadd.s32 $0xFFFFFFA0  }
0xbe: {  	s5 =	simm.s32 $0xA;
	s7 =	simm.s32 $0x10;
	s8 =	sld [smem:$0x10]  }
.LBB1_5:
0xbf: {  	p0 =	sne.s32 s7, $0x2FF0;
	_ =	sdelay $0x1  }
0xc0: {  	s9 =	sand.u32 $0x3F80, s3  }
0xc1: {  	s3 =	sand.u32 $0x70, s3;
	s9 =	sadd.s32 s9, s2;
	s8 =	sshll.u32 s8, $0x4  }
.Ltmp3:
0xc2: {  	s3 =	sadd.s32 s3, s9;
	s8 =	sand.u32 $0x1FFFFFF0, s8;
	(pc) =	sbr.rel @p0 .LBB1_5-.Ltmp3, $3  }
0xc3: {  	s6 =	sadd.s32 $0x1, s6;
	s3 =	sadd.s32 $0x3000, s3;
	s8 =	sadd.s32 s4, s8  }
0xc4: {  	[hbm:s3], [sflag:s5] =	dma.local [hbm:s8], $0x10  }
0xc5: {  	s3 =	smov.u32 s7;
	s7 =	sadd.s32 $0x10, s7;
	s8 =	sld [smem:s6+$0x0]  }
0xc6: {  	_ =	sdelay $0x1  }
0xc7: {  	s6 =	sand.u32 $0x3F80, s3  }
0xc8: {  	s28 =	sand.u32 $0x70, s3;
	s2 =	sadd.s32 s6, s2;
	s29 =	sshll.u32 s8, $0x4  }
0xc9: {  	s2 =	sadd.s32 s28, s2;
	s30 =	sand.u32 $0x1FFFFFF0, s29  }
0xca: {  	s31 =	simm.s32 $0xA;
	s2 =	sadd.s32 $0x3000, s2;
	s3 =	sadd.s32 s4, s30  }
0xcb: {  	[hbm:s2], [sflag:s5] =	dma.local [hbm:s3], $0x10  }
0xcc: {  	_ =	swait.ge [sflag:s31], $0x3000  }
0xcd: {  	[sflag:s31] =	ssyncset.done $0x0  }
0xce: {  	[sflag:s31] =	ssyncadd.s32 $0xFFFFD000  }
.LBB1_7:
0xcf: {  	_ =	strace $0x90000046  }
0xd0: {  	_ =	sfence  }
0xd1: {  	s2 =	sld [smem:$0x0];
	_ =	sdelay $0x2  }
0xd2: {  	s3 =	sshll.u32 s1, $0xD;
	s31 =	sshrl.u32 s1, $0x2  }
0xd3: {  	s3 =	sand.u32 $0x4000, s3;
	s1 =	sadd.s32 s31, s2  }
0xd4: {  	s0 =	sor.u32 s3, s0;
	s1 =	sshll.u32 s1, $0x11  }
0xd5: {  	s0 =	sor.u32 s1, s0  }
0xd6: {  	s0 =	sadd.s32 $0x8F2B, s0;
	(pc) =	sbr.abs _section_cstart, $3  }
0xd7: {  	[sflag:s0] =	ssyncadd.remote.s32 $0x1  }
0xd8: {  	_ =	strace $0x9FFFFFFF  }
0xd9: {  	(tm) =	ssettm $0x7FFFFFFF  }

</sc_bundles>
